<compile_context>
chip_gen: v7x
topology: tpu7x:2x2x1
jax: 0.10.2.dev20260603
libtpu: 0.0.44.dev20260713+nightly
codegen_flags: <defaults>
</compile_context>

<pallas_src>
import functools

import jax
import jax.numpy as jnp
from jax import lax
from jax.experimental import pallas as pl
from jax.experimental.pallas import tpu as pltpu
from jax.experimental.pallas import tpu_sc as plsc

N = 10000
E = 320000
D = 128
DH = D // 2
NC = 2
NS = 16
EPT = E // NS
CH = 80
NCHUNK = EPT // CH
NBUF = 8
NPAD = 10112
RPT = NPAD // NS

_mesh = plsc.VectorSubcoreMesh(core_axis_name="c", subcore_axis_name="s")


@functools.partial(
    pl.kernel,
    mesh=_mesh,
    out_type=jax.ShapeDtypeStruct((NC * NPAD, DH), jnp.bfloat16),
    compiler_params=pltpu.CompilerParams(use_tc_tiling_on_sc=False),
    scratch_types=[
        pltpu.VMEM((NCHUNK, CH), jnp.int32),
        pltpu.VMEM((NCHUNK, CH), jnp.int32),
        pltpu.VMEM((CH, DH), jnp.bfloat16),
        pltpu.VMEM((CH, DH), jnp.bfloat16),
        pltpu.VMEM((CH, DH), jnp.bfloat16),
        pltpu.VMEM((CH, DH), jnp.bfloat16),
        pltpu.VMEM((CH, DH), jnp.bfloat16),
        pltpu.VMEM((CH, DH), jnp.bfloat16),
        pltpu.VMEM((CH, DH), jnp.bfloat16),
        pltpu.VMEM((CH, DH), jnp.bfloat16),
        pltpu.VMEM_SHARED((NPAD, DH), jnp.bfloat16),
        pltpu.SemaphoreType.DMA,
        pltpu.SemaphoreType.DMA,
        pltpu.SemaphoreType.DMA,
        pltpu.SemaphoreType.DMA,
        pltpu.SemaphoreType.DMA,
        pltpu.SemaphoreType.DMA,
        pltpu.SemaphoreType.DMA,
        pltpu.SemaphoreType.DMA,
    ],
)
def _sc_aggregate(y_hbm, src_hbm, dst_hbm, zeros_hbm, out_hbm,
                  src_v, dst_v, buf0, buf1, buf2, buf3, buf4, buf5, buf6,
                  buf7, acc, sem0, sem1, sem2, sem3, sem4, sem5, sem6, sem7):
    cid = lax.axis_index("c")
    sid = lax.axis_index("s")
    bufs = (buf0, buf1, buf2, buf3, buf4, buf5, buf6, buf7)
    sems = (sem0, sem1, sem2, sem3, sem4, sem5, sem6, sem7)

    pltpu.sync_copy(src_hbm.at[cid * NS + sid], src_v)
    pltpu.sync_copy(dst_hbm.at[sid], dst_v)

    for b in range(NBUF):
        pltpu.async_copy(y_hbm.at[src_v.at[b]], bufs[b], sems[b])

    pltpu.sync_copy(zeros_hbm, acc.at[pl.ds(sid * RPT, RPT)])
    plsc.subcore_barrier()

    def step(c, b):
        pltpu.make_async_copy(y_hbm.at[pl.ds(0, CH)], bufs[b], sems[b]).wait()
        pltpu.sync_copy(bufs[b], acc.at[dst_v.at[c]], add=True)

        @pl.when(c + NBUF < NCHUNK)
        def _():
            pltpu.async_copy(y_hbm.at[src_v.at[c + NBUF]], bufs[b], sems[b])

    def outer(i, carry):
        for b in range(NBUF):
            step(i * NBUF + b, b)
        return carry

    lax.fori_loop(0, NCHUNK // NBUF, outer, 0)
    for t in range(NCHUNK - NCHUNK // NBUF * NBUF):
        step(NCHUNK // NBUF * NBUF + t, t)

    plsc.subcore_barrier()
    pltpu.sync_copy(acc.at[pl.ds(sid * RPT, RPT)],
                    out_hbm.at[pl.ds(cid * NPAD + sid * RPT, RPT)])


def _split(y):
    return jnp.concatenate([y[:, 0:DH], y[:, DH:D]], axis=0).astype(jnp.bfloat16)


def _mm1_body(x_ref, wn_ref, wr_ref, b_ref, y_ref, r_ref):
    x = x_ref[...]
    y = jnp.dot(x, wn_ref[...], preferred_element_type=jnp.float32,
                precision=lax.Precision.HIGHEST)
    y_ref[...] = _split(y)
    r_ref[...] = jnp.dot(x, wr_ref[...], preferred_element_type=jnp.float32,
                         precision=lax.Precision.HIGHEST) + b_ref[...]


_mm1 = pl.pallas_call(
    _mm1_body,
    out_shape=(jax.ShapeDtypeStruct((2 * N, DH), jnp.bfloat16),
               jax.ShapeDtypeStruct((N, D), jnp.float32)),
)


def _combine1_body(r_ref, p_ref, wn_ref, wr_ref, b_ref, y_ref, r2_ref):
    agg = jnp.concatenate([p_ref[0, :N], p_ref[1, :N]], axis=1).astype(jnp.float32)
    h = jnp.maximum(r_ref[...] + agg, 0.0)
    y2 = jnp.dot(h, wn_ref[...], preferred_element_type=jnp.float32,
                 precision=lax.Precision.HIGHEST)
    y_ref[...] = _split(y2)
    r2_ref[...] = jnp.dot(h, wr_ref[...], preferred_element_type=jnp.float32,
                          precision=lax.Precision.HIGHEST) + b_ref[...]


_combine1 = pl.pallas_call(
    _combine1_body,
    out_shape=(jax.ShapeDtypeStruct((2 * N, DH), jnp.bfloat16),
               jax.ShapeDtypeStruct((N, D), jnp.float32)),
)


def _combine2_body(r_ref, p_ref, o_ref):
    agg = jnp.concatenate([p_ref[0, :N], p_ref[1, :N]], axis=1).astype(jnp.float32)
    o_ref[...] = r_ref[...] + agg


_combine2 = pl.pallas_call(
    _combine2_body,
    out_shape=jax.ShapeDtypeStruct((N, D), jnp.float32),
)


def kernel(x, edge_index, W1_root, W1_nbr, b1, W2_root, W2_nbr, b2):
    src0 = edge_index[0].astype(jnp.int32).reshape(1, NS, NCHUNK, CH)
    src = jnp.concatenate([src0, src0 + N], axis=0).reshape(NC * NS, NCHUNK, CH)
    dst = edge_index[1].astype(jnp.int32).reshape(NS, NCHUNK, CH)
    zeros = jnp.zeros((RPT, DH), jnp.bfloat16)

    y1, r1 = _mm1(x, W1_nbr, W1_root, b1.reshape(1, D))
    p1 = _sc_aggregate(y1, src, dst, zeros).reshape(NC, NPAD, DH)
    y2, r2 = _combine1(r1, p1, W2_nbr, W2_root, b2.reshape(1, D))
    p2 = _sc_aggregate(y2, src, dst, zeros).reshape(NC, NPAD, DH)
    return _combine2(r2, p2)

# --- scband reference (transcript-rebuilt; emitter-appended) ---
"""Pipeline reference for scband-gcns-21260088115544 (READ-ONLY COPY).

The authoritative reference and input builder live on the scoring server;
editing this copy changes nothing except your own understanding.
"""

import jax, jax.numpy as jnp
import numpy as np

N_NODES = 10000
N_EDGES = 320000
D_IN = 128
H = 128
D_OUT = 128

def setup_inputs(seed: int = 0) -> dict:
    key = jax.random.key(seed)
    k = jax.random.split(key, 9)
    x = jax.random.normal(k[0], (N_NODES, D_IN), dtype=jnp.float32)
    edge_index = jax.random.randint(k[1], (2, N_EDGES), 0, N_NODES, dtype=jnp.int64 if jax.config.jax_enable_x64 else jnp.int32)
    # GraphConv layer 1 params (PyG GraphConv: x' = W_root x + W_nbr * sum_{j in N(i)} x_j + b)
    s1 = 1.0 / np.sqrt(D_IN)
    W1_root = jax.random.uniform(k[2], (D_IN, H), dtype=jnp.float32, minval=-s1, maxval=s1)
    W1_nbr = jax.random.uniform(k[3], (D_IN, H), dtype=jnp.float32, minval=-s1, maxval=s1)
    b1 = jax.random.uniform(k[4], (H,), dtype=jnp.float32, minval=-s1, maxval=s1)
    s2 = 1.0 / np.sqrt(H)
    W2_root = jax.random.uniform(k[5], (H, D_OUT), dtype=jnp.float32, minval=-s2, maxval=s2)
    W2_nbr = jax.random.uniform(k[6], (H, D_OUT), dtype=jnp.float32, minval=-s2, maxval=s2)
    b2 = jax.random.uniform(k[7], (D_OUT,), dtype=jnp.float32, minval=-s2, maxval=s2)
    return {"x": x, "edge_index": edge_index, "W1_root": W1_root, "W1_nbr": W1_nbr, "b1": b1, "W2_root": W2_root, "W2_nbr": W2_nbr, "b2": b2}

def _graph_conv(x, edge_index, W_root, W_nbr, b):
    src = edge_index[0]
    dst = edge_index[1]
    # gather neighbor features and scatter-add to destination nodes
    msgs = jnp.take(x, src, axis=0)
    agg = jax.ops.segment_sum(msgs, dst, num_segments=x.shape[0])
    return x @ W_root + agg @ W_nbr + b

def reference(x, edge_index, W1_root, W1_nbr, b1, W2_root, W2_nbr, b2):
    t = jax.nn.relu(_graph_conv(x, edge_index, W1_root, W1_nbr, b1))
    t = _graph_conv(t, edge_index, W2_root, W2_nbr, b2)
    return t

if __name__ == "__main__":
    import jax
    _d = setup_inputs()
    print(jax.jit(kernel)(*tuple(_d.values())))

</pallas_src>

<mosaic_0001>
#map = affine_map<(d0, d1) -> (0, 0)>
#map1 = affine_map<(d0, d1) -> (0, 0, 0)>
module attributes {stable_mosaic.version = 14 : i64} {
  func.func @_sc_aggregate(%arg0: i32, %arg1: i32, %arg2: memref<20000x64xbf16, #tpu.memory_space<hbm>>, %arg3: memref<32x250x80xi32, #tpu.memory_space<hbm>>, %arg4: memref<16x250x80xi32, #tpu.memory_space<hbm>>, %arg5: memref<632x64xbf16, #tpu.memory_space<hbm>>, %arg6: memref<20224x64xbf16, #tpu.memory_space<hbm>>, %arg7: memref<250x80xi32, #tpu.memory_space<vmem>>, %arg8: memref<250x80xi32, #tpu.memory_space<vmem>>, %arg9: memref<80x64xbf16, #tpu.memory_space<vmem>>, %arg10: memref<80x64xbf16, #tpu.memory_space<vmem>>, %arg11: memref<80x64xbf16, #tpu.memory_space<vmem>>, %arg12: memref<80x64xbf16, #tpu.memory_space<vmem>>, %arg13: memref<80x64xbf16, #tpu.memory_space<vmem>>, %arg14: memref<80x64xbf16, #tpu.memory_space<vmem>>, %arg15: memref<80x64xbf16, #tpu.memory_space<vmem>>, %arg16: memref<80x64xbf16, #tpu.memory_space<vmem>>, %arg17: memref<10112x64xbf16, #tpu.memory_space<vmem_shared>>, %arg18: memref<!tpu.dma_semaphore, #tpu.memory_space<semaphore_mem>>, %arg19: memref<!tpu.dma_semaphore, #tpu.memory_space<semaphore_mem>>, %arg20: memref<!tpu.dma_semaphore, #tpu.memory_space<semaphore_mem>>, %arg21: memref<!tpu.dma_semaphore, #tpu.memory_space<semaphore_mem>>, %arg22: memref<!tpu.dma_semaphore, #tpu.memory_space<semaphore_mem>>, %arg23: memref<!tpu.dma_semaphore, #tpu.memory_space<semaphore_mem>>, %arg24: memref<!tpu.dma_semaphore, #tpu.memory_space<semaphore_mem>>, %arg25: memref<!tpu.dma_semaphore, #tpu.memory_space<semaphore_mem>>) attributes {dimension_semantics = [#tpu.dimension_semantics<core_parallel>, #tpu.dimension_semantics<subcore_parallel>], iteration_bounds = array<i64: 2, 16>, scalar_prefetch = 0 : i64, scratch_operands = 19 : i64, tpu.core_type = #tpu.core_type<sc_vector_subcore>, window_params = [{transform_indices = #map}, {transform_indices = #map1}, {transform_indices = #map1}, {transform_indices = #map}, {transform_indices = #map}]} {
    %mul3A = arith.constant 16 : i32
    %mul3A_0 = arith.muli %arg0, %mul3A : i32
    %add3A = arith.addi %mul3A_0, %arg1 : i32
    "tpu.region"() ({
      %run_scoped3A_83 = tpu.sem_alloc : memref<!tpu.dma_semaphore, #tpu.memory_space<semaphore_mem>>
      %dma_start3A_84 = arith.constant 0 : i32
      %dma_start3A_85 = arith.constant 0 : i32
      %dma_start3A_86 = tpu.memref_slice %arg3[%add3A, %dma_start3A_84, %dma_start3A_85] : memref<32x250x80xi32, #tpu.memory_space<hbm>> -> memref<1x250x80xi32, #tpu.memory_space<hbm>>
      %dma_start3A_87 = tpu.memref_squeeze %dma_start3A_86 : memref<1x250x80xi32, #tpu.memory_space<hbm>> -> memref<250x80xi32, #tpu.memory_space<hbm>>
      %dma_start3A_88 = arith.constant 0 : i32
      %dma_start3A_89 = arith.constant 0 : i32
      %dma_start3A_90 = tpu.memref_slice %arg3[%add3A, %dma_start3A_88, %dma_start3A_89] : memref<32x250x80xi32, #tpu.memory_space<hbm>> -> memref<1x250x80xi32, #tpu.memory_space<hbm>>
      %dma_start3A_91 = tpu.memref_squeeze %dma_start3A_90 : memref<1x250x80xi32, #tpu.memory_space<hbm>> -> memref<250x80xi32, #tpu.memory_space<hbm>>
      tpu.enqueue_dma source(%dma_start3A_91 : memref<250x80xi32, #tpu.memory_space<hbm>>) target(%arg7 : memref<250x80xi32, #tpu.memory_space<vmem>>) target_semaphore(%run_scoped3A_83 : memref<!tpu.dma_semaphore, #tpu.memory_space<semaphore_mem>>)
      %dma_wait3A_92 = arith.constant 0 : i32
      %dma_wait3A_93 = arith.constant 0 : i32
      %dma_wait3A_94 = tpu.memref_slice %arg3[%add3A, %dma_wait3A_92, %dma_wait3A_93] : memref<32x250x80xi32, #tpu.memory_space<hbm>> -> memref<1x250x80xi32, #tpu.memory_space<hbm>>
      %dma_wait3A_95 = tpu.memref_squeeze %dma_wait3A_94 : memref<1x250x80xi32, #tpu.memory_space<hbm>> -> memref<250x80xi32, #tpu.memory_space<hbm>>
      %dma_wait3A_96 = arith.constant 0 : i32
      %dma_wait3A_97 = arith.constant 0 : i32
      %dma_wait3A_98 = tpu.memref_slice %arg3[%add3A, %dma_wait3A_96, %dma_wait3A_97] : memref<32x250x80xi32, #tpu.memory_space<hbm>> -> memref<1x250x80xi32, #tpu.memory_space<hbm>>
      %dma_wait3A_99 = tpu.memref_squeeze %dma_wait3A_98 : memref<1x250x80xi32, #tpu.memory_space<hbm>> -> memref<250x80xi32, #tpu.memory_space<hbm>>
      tpu.wait_dma2 semaphore(%run_scoped3A_83 : memref<!tpu.dma_semaphore, #tpu.memory_space<semaphore_mem>>) src(%dma_wait3A_99 : memref<250x80xi32, #tpu.memory_space<hbm>>) dst(%arg7 : memref<250x80xi32, #tpu.memory_space<vmem>>)
      tpu.yield
    }) : () -> ()
    "tpu.region"() ({
      %run_scoped3A_83 = tpu.sem_alloc : memref<!tpu.dma_semaphore, #tpu.memory_space<semaphore_mem>>
      %dma_start3A_84 = arith.constant 0 : i32
      %dma_start3A_85 = arith.constant 0 : i32
      %dma_start3A_86 = tpu.memref_slice %arg4[%arg1, %dma_start3A_84, %dma_start3A_85] : memref<16x250x80xi32, #tpu.memory_space<hbm>> -> memref<1x250x80xi32, #tpu.memory_space<hbm>>
      %dma_start3A_87 = tpu.memref_squeeze %dma_start3A_86 : memref<1x250x80xi32, #tpu.memory_space<hbm>> -> memref<250x80xi32, #tpu.memory_space<hbm>>
      %dma_start3A_88 = arith.constant 0 : i32
      %dma_start3A_89 = arith.constant 0 : i32
      %dma_start3A_90 = tpu.memref_slice %arg4[%arg1, %dma_start3A_88, %dma_start3A_89] : memref<16x250x80xi32, #tpu.memory_space<hbm>> -> memref<1x250x80xi32, #tpu.memory_space<hbm>>
      %dma_start3A_91 = tpu.memref_squeeze %dma_start3A_90 : memref<1x250x80xi32, #tpu.memory_space<hbm>> -> memref<250x80xi32, #tpu.memory_space<hbm>>
      tpu.enqueue_dma source(%dma_start3A_91 : memref<250x80xi32, #tpu.memory_space<hbm>>) target(%arg8 : memref<250x80xi32, #tpu.memory_space<vmem>>) target_semaphore(%run_scoped3A_83 : memref<!tpu.dma_semaphore, #tpu.memory_space<semaphore_mem>>)
      %dma_wait3A_92 = arith.constant 0 : i32
      %dma_wait3A_93 = arith.constant 0 : i32
      %dma_wait3A_94 = tpu.memref_slice %arg4[%arg1, %dma_wait3A_92, %dma_wait3A_93] : memref<16x250x80xi32, #tpu.memory_space<hbm>> -> memref<1x250x80xi32, #tpu.memory_space<hbm>>
      %dma_wait3A_95 = tpu.memref_squeeze %dma_wait3A_94 : memref<1x250x80xi32, #tpu.memory_space<hbm>> -> memref<250x80xi32, #tpu.memory_space<hbm>>
      %dma_wait3A_96 = arith.constant 0 : i32
      %dma_wait3A_97 = arith.constant 0 : i32
      %dma_wait3A_98 = tpu.memref_slice %arg4[%arg1, %dma_wait3A_96, %dma_wait3A_97] : memref<16x250x80xi32, #tpu.memory_space<hbm>> -> memref<1x250x80xi32, #tpu.memory_space<hbm>>
      %dma_wait3A_99 = tpu.memref_squeeze %dma_wait3A_98 : memref<1x250x80xi32, #tpu.memory_space<hbm>> -> memref<250x80xi32, #tpu.memory_space<hbm>>
      tpu.wait_dma2 semaphore(%run_scoped3A_83 : memref<!tpu.dma_semaphore, #tpu.memory_space<semaphore_mem>>) src(%dma_wait3A_99 : memref<250x80xi32, #tpu.memory_space<hbm>>) dst(%arg8 : memref<250x80xi32, #tpu.memory_space<vmem>>)
      tpu.yield
    }) : () -> ()
    %dma_start3A = arith.constant 0 : i32
    %dma_start3A_1 = arith.constant 0 : i32
    %dma_start3A_2 = tpu.memref_slice %arg7[%dma_start3A, %dma_start3A_1] : memref<250x80xi32, #tpu.memory_space<vmem>> -> memref<1x80xi32, #tpu.memory_space<vmem>>
    %dma_start3A_3 = tpu.memref_squeeze %dma_start3A_2 : memref<1x80xi32, #tpu.memory_space<vmem>> -> memref<80xi32, #tpu.memory_space<vmem>>
    %dma_start3A_4 = arith.constant 0 : i32
    %dma_start3A_5 = arith.constant 0 : i32
    %dma_start3A_6 = tpu.memref_slice %arg2[%dma_start3A_4, %dma_start3A_5] : memref<20000x64xbf16, #tpu.memory_space<hbm>> -> memref<20000x64xbf16, #tpu.memory_space<hbm>>
    tpu.enqueue_indirect_dma source(%dma_start3A_6 : memref<20000x64xbf16, #tpu.memory_space<hbm>>) target(%arg9 : memref<80x64xbf16, #tpu.memory_space<vmem>>) offsets(%dma_start3A_3 : memref<80xi32, #tpu.memory_space<vmem>>) semaphore(%arg18 : memref<!tpu.dma_semaphore, #tpu.memory_space<semaphore_mem>>)
    %dma_start3A_7 = arith.constant 1 : i32
    %dma_start3A_8 = arith.constant 0 : i32
    %dma_start3A_9 = tpu.memref_slice %arg7[%dma_start3A_7, %dma_start3A_8] : memref<250x80xi32, #tpu.memory_space<vmem>> -> memref<1x80xi32, #tpu.memory_space<vmem>>
    %dma_start3A_10 = tpu.memref_squeeze %dma_start3A_9 : memref<1x80xi32, #tpu.memory_space<vmem>> -> memref<80xi32, #tpu.memory_space<vmem>>
    %dma_start3A_11 = arith.constant 0 : i32
    %dma_start3A_12 = arith.constant 0 : i32
    %dma_start3A_13 = tpu.memref_slice %arg2[%dma_start3A_11, %dma_start3A_12] : memref<20000x64xbf16, #tpu.memory_space<hbm>> -> memref<20000x64xbf16, #tpu.memory_space<hbm>>
    tpu.enqueue_indirect_dma source(%dma_start3A_13 : memref<20000x64xbf16, #tpu.memory_space<hbm>>) target(%arg10 : memref<80x64xbf16, #tpu.memory_space<vmem>>) offsets(%dma_start3A_10 : memref<80xi32, #tpu.memory_space<vmem>>) semaphore(%arg19 : memref<!tpu.dma_semaphore, #tpu.memory_space<semaphore_mem>>)
    %dma_start3A_14 = arith.constant 2 : i32
    %dma_start3A_15 = arith.constant 0 : i32
    %dma_start3A_16 = tpu.memref_slice %arg7[%dma_start3A_14, %dma_start3A_15] : memref<250x80xi32, #tpu.memory_space<vmem>> -> memref<1x80xi32, #tpu.memory_space<vmem>>
    %dma_start3A_17 = tpu.memref_squeeze %dma_start3A_16 : memref<1x80xi32, #tpu.memory_space<vmem>> -> memref<80xi32, #tpu.memory_space<vmem>>
    %dma_start3A_18 = arith.constant 0 : i32
    %dma_start3A_19 = arith.constant 0 : i32
    %dma_start3A_20 = tpu.memref_slice %arg2[%dma_start3A_18, %dma_start3A_19] : memref<20000x64xbf16, #tpu.memory_space<hbm>> -> memref<20000x64xbf16, #tpu.memory_space<hbm>>
    tpu.enqueue_indirect_dma source(%dma_start3A_20 : memref<20000x64xbf16, #tpu.memory_space<hbm>>) target(%arg11 : memref<80x64xbf16, #tpu.memory_space<vmem>>) offsets(%dma_start3A_17 : memref<80xi32, #tpu.memory_space<vmem>>) semaphore(%arg20 : memref<!tpu.dma_semaphore, #tpu.memory_space<semaphore_mem>>)
    %dma_start3A_21 = arith.constant 3 : i32
    %dma_start3A_22 = arith.constant 0 : i32
    %dma_start3A_23 = tpu.memref_slice %arg7[%dma_start3A_21, %dma_start3A_22] : memref<250x80xi32, #tpu.memory_space<vmem>> -> memref<1x80xi32, #tpu.memory_space<vmem>>
    %dma_start3A_24 = tpu.memref_squeeze %dma_start3A_23 : memref<1x80xi32, #tpu.memory_space<vmem>> -> memref<80xi32, #tpu.memory_space<vmem>>
    %dma_start3A_25 = arith.constant 0 : i32
    %dma_start3A_26 = arith.constant 0 : i32
    %dma_start3A_27 = tpu.memref_slice %arg2[%dma_start3A_25, %dma_start3A_26] : memref<20000x64xbf16, #tpu.memory_space<hbm>> -> memref<20000x64xbf16, #tpu.memory_space<hbm>>
    tpu.enqueue_indirect_dma source(%dma_start3A_27 : memref<20000x64xbf16, #tpu.memory_space<hbm>>) target(%arg12 : memref<80x64xbf16, #tpu.memory_space<vmem>>) offsets(%dma_start3A_24 : memref<80xi32, #tpu.memory_space<vmem>>) semaphore(%arg21 : memref<!tpu.dma_semaphore, #tpu.memory_space<semaphore_mem>>)
    %dma_start3A_28 = arith.constant 4 : i32
    %dma_start3A_29 = arith.constant 0 : i32
    %dma_start3A_30 = tpu.memref_slice %arg7[%dma_start3A_28, %dma_start3A_29] : memref<250x80xi32, #tpu.memory_space<vmem>> -> memref<1x80xi32, #tpu.memory_space<vmem>>
    %dma_start3A_31 = tpu.memref_squeeze %dma_start3A_30 : memref<1x80xi32, #tpu.memory_space<vmem>> -> memref<80xi32, #tpu.memory_space<vmem>>
    %dma_start3A_32 = arith.constant 0 : i32
    %dma_start3A_33 = arith.constant 0 : i32
    %dma_start3A_34 = tpu.memref_slice %arg2[%dma_start3A_32, %dma_start3A_33] : memref<20000x64xbf16, #tpu.memory_space<hbm>> -> memref<20000x64xbf16, #tpu.memory_space<hbm>>
    tpu.enqueue_indirect_dma source(%dma_start3A_34 : memref<20000x64xbf16, #tpu.memory_space<hbm>>) target(%arg13 : memref<80x64xbf16, #tpu.memory_space<vmem>>) offsets(%dma_start3A_31 : memref<80xi32, #tpu.memory_space<vmem>>) semaphore(%arg22 : memref<!tpu.dma_semaphore, #tpu.memory_space<semaphore_mem>>)
    %dma_start3A_35 = arith.constant 5 : i32
    %dma_start3A_36 = arith.constant 0 : i32
    %dma_start3A_37 = tpu.memref_slice %arg7[%dma_start3A_35, %dma_start3A_36] : memref<250x80xi32, #tpu.memory_space<vmem>> -> memref<1x80xi32, #tpu.memory_space<vmem>>
    %dma_start3A_38 = tpu.memref_squeeze %dma_start3A_37 : memref<1x80xi32, #tpu.memory_space<vmem>> -> memref<80xi32, #tpu.memory_space<vmem>>
    %dma_start3A_39 = arith.constant 0 : i32
    %dma_start3A_40 = arith.constant 0 : i32
    %dma_start3A_41 = tpu.memref_slice %arg2[%dma_start3A_39, %dma_start3A_40] : memref<20000x64xbf16, #tpu.memory_space<hbm>> -> memref<20000x64xbf16, #tpu.memory_space<hbm>>
    tpu.enqueue_indirect_dma source(%dma_start3A_41 : memref<20000x64xbf16, #tpu.memory_space<hbm>>) target(%arg14 : memref<80x64xbf16, #tpu.memory_space<vmem>>) offsets(%dma_start3A_38 : memref<80xi32, #tpu.memory_space<vmem>>) semaphore(%arg23 : memref<!tpu.dma_semaphore, #tpu.memory_space<semaphore_mem>>)
    %dma_start3A_42 = arith.constant 6 : i32
    %dma_start3A_43 = arith.constant 0 : i32
    %dma_start3A_44 = tpu.memref_slice %arg7[%dma_start3A_42, %dma_start3A_43] : memref<250x80xi32, #tpu.memory_space<vmem>> -> memref<1x80xi32, #tpu.memory_space<vmem>>
    %dma_start3A_45 = tpu.memref_squeeze %dma_start3A_44 : memref<1x80xi32, #tpu.memory_space<vmem>> -> memref<80xi32, #tpu.memory_space<vmem>>
    %dma_start3A_46 = arith.constant 0 : i32
    %dma_start3A_47 = arith.constant 0 : i32
    %dma_start3A_48 = tpu.memref_slice %arg2[%dma_start3A_46, %dma_start3A_47] : memref<20000x64xbf16, #tpu.memory_space<hbm>> -> memref<20000x64xbf16, #tpu.memory_space<hbm>>
    tpu.enqueue_indirect_dma source(%dma_start3A_48 : memref<20000x64xbf16, #tpu.memory_space<hbm>>) target(%arg15 : memref<80x64xbf16, #tpu.memory_space<vmem>>) offsets(%dma_start3A_45 : memref<80xi32, #tpu.memory_space<vmem>>) semaphore(%arg24 : memref<!tpu.dma_semaphore, #tpu.memory_space<semaphore_mem>>)
    %dma_start3A_49 = arith.constant 7 : i32
    %dma_start3A_50 = arith.constant 0 : i32
    %dma_start3A_51 = tpu.memref_slice %arg7[%dma_start3A_49, %dma_start3A_50] : memref<250x80xi32, #tpu.memory_space<vmem>> -> memref<1x80xi32, #tpu.memory_space<vmem>>
    %dma_start3A_52 = tpu.memref_squeeze %dma_start3A_51 : memref<1x80xi32, #tpu.memory_space<vmem>> -> memref<80xi32, #tpu.memory_space<vmem>>
    %dma_start3A_53 = arith.constant 0 : i32
    %dma_start3A_54 = arith.constant 0 : i32
    %dma_start3A_55 = tpu.memref_slice %arg2[%dma_start3A_53, %dma_start3A_54] : memref<20000x64xbf16, #tpu.memory_space<hbm>> -> memref<20000x64xbf16, #tpu.memory_space<hbm>>
    tpu.enqueue_indirect_dma source(%dma_start3A_55 : memref<20000x64xbf16, #tpu.memory_space<hbm>>) target(%arg16 : memref<80x64xbf16, #tpu.memory_space<vmem>>) offsets(%dma_start3A_52 : memref<80xi32, #tpu.memory_space<vmem>>) semaphore(%arg25 : memref<!tpu.dma_semaphore, #tpu.memory_space<semaphore_mem>>)
    %mul3A_56 = arith.constant 632 : i32
    %mul3A_57 = arith.muli %arg1, %mul3A_56 : i32
    "tpu.region"() ({
      %run_scoped3A_83 = tpu.sem_alloc : memref<!tpu.dma_semaphore, #tpu.memory_space<semaphore_mem>>
      %dma_start3A_84 = arith.constant 0 : i32
      %dma_start3A_85 = tpu.memref_slice %arg17[%mul3A_57, %dma_start3A_84] : memref<10112x64xbf16, #tpu.memory_space<vmem_shared>> -> memref<632x64xbf16, #tpu.memory_space<vmem_shared>>
      tpu.enqueue_dma source(%arg5 : memref<632x64xbf16, #tpu.memory_space<hbm>>) target(%dma_start3A_85 : memref<632x64xbf16, #tpu.memory_space<vmem_shared>>) target_semaphore(%run_scoped3A_83 : memref<!tpu.dma_semaphore, #tpu.memory_space<semaphore_mem>>)
      %dma_wait3A_86 = arith.constant 0 : i32
      %dma_wait3A_87 = tpu.memref_slice %arg17[%mul3A_57, %dma_wait3A_86] : memref<10112x64xbf16, #tpu.memory_space<vmem_shared>> -> memref<632x64xbf16, #tpu.memory_space<vmem_shared>>
      tpu.wait_dma2 semaphore(%run_scoped3A_83 : memref<!tpu.dma_semaphore, #tpu.memory_space<semaphore_mem>>) src(%arg5 : memref<632x64xbf16, #tpu.memory_space<hbm>>) dst(%dma_wait3A_87 : memref<632x64xbf16, #tpu.memory_space<vmem_shared>>)
      tpu.yield
    }) : () -> ()
    %barrier3A = arith.constant 0 : index
    tpu.barrier barrier_id(%barrier3A)
    %scan3A = arith.constant 0 : i32
    %scan3A_58 = arith.constant 0 : i32
    %scan3A_59 = arith.constant 31 : i32
    %scan3A_60 = arith.addi %scan3A_58, %scan3A_59 : i32
    %scan3A_61 = arith.constant 1 : i32
    scf.for %scan3A_83 = %scan3A_58 to %scan3A_60 step %scan3A_61  : i32 {
      %mul3A_84 = arith.constant 8 : i32
      %mul3A_85 = arith.muli %scan3A_83, %mul3A_84 : i32
      %add3A_86 = arith.constant 0 : i32
      %add3A_87 = arith.addi %mul3A_85, %add3A_86 : i32
      %dma_wait3A_88 = arith.constant 0 : i32
      %dma_wait3A_89 = arith.constant 0 : i32
      %dma_wait3A_90 = tpu.memref_slice %arg2[%dma_wait3A_88, %dma_wait3A_89] : memref<20000x64xbf16, #tpu.memory_space<hbm>> -> memref<80x64xbf16, #tpu.memory_space<hbm>>
      %dma_wait3A_91 = arith.constant 0 : i32
      %dma_wait3A_92 = arith.constant 0 : i32
      %dma_wait3A_93 = tpu.memref_slice %arg2[%dma_wait3A_91, %dma_wait3A_92] : memref<20000x64xbf16, #tpu.memory_space<hbm>> -> memref<80x64xbf16, #tpu.memory_space<hbm>>
      tpu.wait_dma2 semaphore(%arg18 : memref<!tpu.dma_semaphore, #tpu.memory_space<semaphore_mem>>) src(%dma_wait3A_93 : memref<80x64xbf16, #tpu.memory_space<hbm>>) dst(%arg9 : memref<80x64xbf16, #tpu.memory_space<vmem>>)
      "tpu.region"() ({
        %run_scoped3A_217 = tpu.sem_alloc : memref<!tpu.dma_semaphore, #tpu.memory_space<semaphore_mem>>
        %dma_start3A_218 = arith.constant 0 : i32
        %dma_start3A_219 = tpu.memref_slice %arg8[%add3A_87, %dma_start3A_218] : memref<250x80xi32, #tpu.memory_space<vmem>> -> memref<1x80xi32, #tpu.memory_space<vmem>>
        %dma_start3A_220 = tpu.memref_squeeze %dma_start3A_219 : memref<1x80xi32, #tpu.memory_space<vmem>> -> memref<80xi32, #tpu.memory_space<vmem>>
        %dma_start3A_221 = arith.constant 0 : i32
        %dma_start3A_222 = arith.constant 0 : i32
        %dma_start3A_223 = tpu.memref_slice %arg17[%dma_start3A_221, %dma_start3A_222] : memref<10112x64xbf16, #tpu.memory_space<vmem_shared>> -> memref<10112x64xbf16, #tpu.memory_space<vmem_shared>>
        tpu.enqueue_indirect_dma source(%arg9 : memref<80x64xbf16, #tpu.memory_space<vmem>>) target(%dma_start3A_223 : memref<10112x64xbf16, #tpu.memory_space<vmem_shared>>) offsets(%dma_start3A_220 : memref<80xi32, #tpu.memory_space<vmem>>) semaphore(%run_scoped3A_217 : memref<!tpu.dma_semaphore, #tpu.memory_space<semaphore_mem>>) {add = true}
        %dma_wait3A_224 = arith.constant 0 : i32
        %dma_wait3A_225 = tpu.memref_slice %arg8[%add3A_87, %dma_wait3A_224] : memref<250x80xi32, #tpu.memory_space<vmem>> -> memref<1x80xi32, #tpu.memory_space<vmem>>
        %dma_wait3A_226 = tpu.memref_squeeze %dma_wait3A_225 : memref<1x80xi32, #tpu.memory_space<vmem>> -> memref<80xi32, #tpu.memory_space<vmem>>
        %dma_wait3A_227 = arith.constant 0 : i32
        %dma_wait3A_228 = arith.constant 0 : i32
        %dma_wait3A_229 = tpu.memref_slice %arg17[%dma_wait3A_227, %dma_wait3A_228] : memref<10112x64xbf16, #tpu.memory_space<vmem_shared>> -> memref<10112x64xbf16, #tpu.memory_space<vmem_shared>>
        tpu.wait_indirect_dma semaphore(%run_scoped3A_217 : memref<!tpu.dma_semaphore, #tpu.memory_space<semaphore_mem>>) src(%arg9 : memref<80x64xbf16, #tpu.memory_space<vmem>>) dst(%dma_wait3A_229 : memref<10112x64xbf16, #tpu.memory_space<vmem_shared>>)
        tpu.yield
      }) : () -> ()
      %add3A_94 = arith.constant 8 : i32
      %add3A_95 = arith.addi %add3A_87, %add3A_94 : i32
      %lt3A = arith.constant 250 : i32
      %lt3A_96 = arith.cmpi slt, %add3A_95, %lt3A : i32
      %convert_element_type3A = arith.extui %lt3A_96 : i1 to i32
      %cond3A = arith.constant 0 : i32
      %cond3A_97 = arith.cmpi ne, %convert_element_type3A, %cond3A : i32
      scf.if %cond3A_97 {
        %add3A_217 = arith.constant 8 : i32
        %add3A_218 = arith.addi %add3A_87, %add3A_217 : i32
        %dma_start3A_219 = arith.constant 0 : i32
        %dma_start3A_220 = tpu.memref_slice %arg7[%add3A_218, %dma_start3A_219] : memref<250x80xi32, #tpu.memory_space<vmem>> -> memref<1x80xi32, #tpu.memory_space<vmem>>
        %dma_start3A_221 = tpu.memref_squeeze %dma_start3A_220 : memref<1x80xi32, #tpu.memory_space<vmem>> -> memref<80xi32, #tpu.memory_space<vmem>>
        %dma_start3A_222 = arith.constant 0 : i32
        %dma_start3A_223 = arith.constant 0 : i32
        %dma_start3A_224 = tpu.memref_slice %arg2[%dma_start3A_222, %dma_start3A_223] : memref<20000x64xbf16, #tpu.memory_space<hbm>> -> memref<20000x64xbf16, #tpu.memory_space<hbm>>
        tpu.enqueue_indirect_dma source(%dma_start3A_224 : memref<20000x64xbf16, #tpu.memory_space<hbm>>) target(%arg9 : memref<80x64xbf16, #tpu.memory_space<vmem>>) offsets(%dma_start3A_221 : memref<80xi32, #tpu.memory_space<vmem>>) semaphore(%arg18 : memref<!tpu.dma_semaphore, #tpu.memory_space<semaphore_mem>>)
      } else {
      }
      %mul3A_98 = arith.constant 8 : i32
      %mul3A_99 = arith.muli %scan3A_83, %mul3A_98 : i32
      %add3A_100 = arith.constant 1 : i32
      %add3A_101 = arith.addi %mul3A_99, %add3A_100 : i32
      %dma_wait3A_102 = arith.constant 0 : i32
      %dma_wait3A_103 = arith.constant 0 : i32
      %dma_wait3A_104 = tpu.memref_slice %arg2[%dma_wait3A_102, %dma_wait3A_103] : memref<20000x64xbf16, #tpu.memory_space<hbm>> -> memref<80x64xbf16, #tpu.memory_space<hbm>>
      %dma_wait3A_105 = arith.constant 0 : i32
      %dma_wait3A_106 = arith.constant 0 : i32
      %dma_wait3A_107 = tpu.memref_slice %arg2[%dma_wait3A_105, %dma_wait3A_106] : memref<20000x64xbf16, #tpu.memory_space<hbm>> -> memref<80x64xbf16, #tpu.memory_space<hbm>>
      tpu.wait_dma2 semaphore(%arg19 : memref<!tpu.dma_semaphore, #tpu.memory_space<semaphore_mem>>) src(%dma_wait3A_107 : memref<80x64xbf16, #tpu.memory_space<hbm>>) dst(%arg10 : memref<80x64xbf16, #tpu.memory_space<vmem>>)
      "tpu.region"() ({
        %run_scoped3A_217 = tpu.sem_alloc : memref<!tpu.dma_semaphore, #tpu.memory_space<semaphore_mem>>
        %dma_start3A_218 = arith.constant 0 : i32
        %dma_start3A_219 = tpu.memref_slice %arg8[%add3A_101, %dma_start3A_218] : memref<250x80xi32, #tpu.memory_space<vmem>> -> memref<1x80xi32, #tpu.memory_space<vmem>>
        %dma_start3A_220 = tpu.memref_squeeze %dma_start3A_219 : memref<1x80xi32, #tpu.memory_space<vmem>> -> memref<80xi32, #tpu.memory_space<vmem>>
        %dma_start3A_221 = arith.constant 0 : i32
        %dma_start3A_222 = arith.constant 0 : i32
        %dma_start3A_223 = tpu.memref_slice %arg17[%dma_start3A_221, %dma_start3A_222] : memref<10112x64xbf16, #tpu.memory_space<vmem_shared>> -> memref<10112x64xbf16, #tpu.memory_space<vmem_shared>>
        tpu.enqueue_indirect_dma source(%arg10 : memref<80x64xbf16, #tpu.memory_space<vmem>>) target(%dma_start3A_223 : memref<10112x64xbf16, #tpu.memory_space<vmem_shared>>) offsets(%dma_start3A_220 : memref<80xi32, #tpu.memory_space<vmem>>) semaphore(%run_scoped3A_217 : memref<!tpu.dma_semaphore, #tpu.memory_space<semaphore_mem>>) {add = true}
        %dma_wait3A_224 = arith.constant 0 : i32
        %dma_wait3A_225 = tpu.memref_slice %arg8[%add3A_101, %dma_wait3A_224] : memref<250x80xi32, #tpu.memory_space<vmem>> -> memref<1x80xi32, #tpu.memory_space<vmem>>
        %dma_wait3A_226 = tpu.memref_squeeze %dma_wait3A_225 : memref<1x80xi32, #tpu.memory_space<vmem>> -> memref<80xi32, #tpu.memory_space<vmem>>
        %dma_wait3A_227 = arith.constant 0 : i32
        %dma_wait3A_228 = arith.constant 0 : i32
        %dma_wait3A_229 = tpu.memref_slice %arg17[%dma_wait3A_227, %dma_wait3A_228] : memref<10112x64xbf16, #tpu.memory_space<vmem_shared>> -> memref<10112x64xbf16, #tpu.memory_space<vmem_shared>>
        tpu.wait_indirect_dma semaphore(%run_scoped3A_217 : memref<!tpu.dma_semaphore, #tpu.memory_space<semaphore_mem>>) src(%arg10 : memref<80x64xbf16, #tpu.memory_space<vmem>>) dst(%dma_wait3A_229 : memref<10112x64xbf16, #tpu.memory_space<vmem_shared>>)
        tpu.yield
      }) : () -> ()
      %add3A_108 = arith.constant 8 : i32
      %add3A_109 = arith.addi %add3A_101, %add3A_108 : i32
      %lt3A_110 = arith.constant 250 : i32
      %lt3A_111 = arith.cmpi slt, %add3A_109, %lt3A_110 : i32
      %convert_element_type3A_112 = arith.extui %lt3A_111 : i1 to i32
      %cond3A_113 = arith.constant 0 : i32
      %cond3A_114 = arith.cmpi ne, %convert_element_type3A_112, %cond3A_113 : i32
      scf.if %cond3A_114 {
        %add3A_217 = arith.constant 8 : i32
        %add3A_218 = arith.addi %add3A_101, %add3A_217 : i32
        %dma_start3A_219 = arith.constant 0 : i32
        %dma_start3A_220 = tpu.memref_slice %arg7[%add3A_218, %dma_start3A_219] : memref<250x80xi32, #tpu.memory_space<vmem>> -> memref<1x80xi32, #tpu.memory_space<vmem>>
        %dma_start3A_221 = tpu.memref_squeeze %dma_start3A_220 : memref<1x80xi32, #tpu.memory_space<vmem>> -> memref<80xi32, #tpu.memory_space<vmem>>
        %dma_start3A_222 = arith.constant 0 : i32
        %dma_start3A_223 = arith.constant 0 : i32
        %dma_start3A_224 = tpu.memref_slice %arg2[%dma_start3A_222, %dma_start3A_223] : memref<20000x64xbf16, #tpu.memory_space<hbm>> -> memref<20000x64xbf16, #tpu.memory_space<hbm>>
        tpu.enqueue_indirect_dma source(%dma_start3A_224 : memref<20000x64xbf16, #tpu.memory_space<hbm>>) target(%arg10 : memref<80x64xbf16, #tpu.memory_space<vmem>>) offsets(%dma_start3A_221 : memref<80xi32, #tpu.memory_space<vmem>>) semaphore(%arg19 : memref<!tpu.dma_semaphore, #tpu.memory_space<semaphore_mem>>)
      } else {
      }
      %mul3A_115 = arith.constant 8 : i32
      %mul3A_116 = arith.muli %scan3A_83, %mul3A_115 : i32
      %add3A_117 = arith.constant 2 : i32
      %add3A_118 = arith.addi %mul3A_116, %add3A_117 : i32
      %dma_wait3A_119 = arith.constant 0 : i32
      %dma_wait3A_120 = arith.constant 0 : i32
      %dma_wait3A_121 = tpu.memref_slice %arg2[%dma_wait3A_119, %dma_wait3A_120] : memref<20000x64xbf16, #tpu.memory_space<hbm>> -> memref<80x64xbf16, #tpu.memory_space<hbm>>
      %dma_wait3A_122 = arith.constant 0 : i32
      %dma_wait3A_123 = arith.constant 0 : i32
      %dma_wait3A_124 = tpu.memref_slice %arg2[%dma_wait3A_122, %dma_wait3A_123] : memref<20000x64xbf16, #tpu.memory_space<hbm>> -> memref<80x64xbf16, #tpu.memory_space<hbm>>
      tpu.wait_dma2 semaphore(%arg20 : memref<!tpu.dma_semaphore, #tpu.memory_space<semaphore_mem>>) src(%dma_wait3A_124 : memref<80x64xbf16, #tpu.memory_space<hbm>>) dst(%arg11 : memref<80x64xbf16, #tpu.memory_space<vmem>>)
      "tpu.region"() ({
        %run_scoped3A_217 = tpu.sem_alloc : memref<!tpu.dma_semaphore, #tpu.memory_space<semaphore_mem>>
        %dma_start3A_218 = arith.constant 0 : i32
        %dma_start3A_219 = tpu.memref_slice %arg8[%add3A_118, %dma_start3A_218] : memref<250x80xi32, #tpu.memory_space<vmem>> -> memref<1x80xi32, #tpu.memory_space<vmem>>
        %dma_start3A_220 = tpu.memref_squeeze %dma_start3A_219 : memref<1x80xi32, #tpu.memory_space<vmem>> -> memref<80xi32, #tpu.memory_space<vmem>>
        %dma_start3A_221 = arith.constant 0 : i32
        %dma_start3A_222 = arith.constant 0 : i32
        %dma_start3A_223 = tpu.memref_slice %arg17[%dma_start3A_221, %dma_start3A_222] : memref<10112x64xbf16, #tpu.memory_space<vmem_shared>> -> memref<10112x64xbf16, #tpu.memory_space<vmem_shared>>
        tpu.enqueue_indirect_dma source(%arg11 : memref<80x64xbf16, #tpu.memory_space<vmem>>) target(%dma_start3A_223 : memref<10112x64xbf16, #tpu.memory_space<vmem_shared>>) offsets(%dma_start3A_220 : memref<80xi32, #tpu.memory_space<vmem>>) semaphore(%run_scoped3A_217 : memref<!tpu.dma_semaphore, #tpu.memory_space<semaphore_mem>>) {add = true}
        %dma_wait3A_224 = arith.constant 0 : i32
        %dma_wait3A_225 = tpu.memref_slice %arg8[%add3A_118, %dma_wait3A_224] : memref<250x80xi32, #tpu.memory_space<vmem>> -> memref<1x80xi32, #tpu.memory_space<vmem>>
        %dma_wait3A_226 = tpu.memref_squeeze %dma_wait3A_225 : memref<1x80xi32, #tpu.memory_space<vmem>> -> memref<80xi32, #tpu.memory_space<vmem>>
        %dma_wait3A_227 = arith.constant 0 : i32
        %dma_wait3A_228 = arith.constant 0 : i32
        %dma_wait3A_229 = tpu.memref_slice %arg17[%dma_wait3A_227, %dma_wait3A_228] : memref<10112x64xbf16, #tpu.memory_space<vmem_shared>> -> memref<10112x64xbf16, #tpu.memory_space<vmem_shared>>
        tpu.wait_indirect_dma semaphore(%run_scoped3A_217 : memref<!tpu.dma_semaphore, #tpu.memory_space<semaphore_mem>>) src(%arg11 : memref<80x64xbf16, #tpu.memory_space<vmem>>) dst(%dma_wait3A_229 : memref<10112x64xbf16, #tpu.memory_space<vmem_shared>>)
        tpu.yield
      }) : () -> ()
      %add3A_125 = arith.constant 8 : i32
      %add3A_126 = arith.addi %add3A_118, %add3A_125 : i32
      %lt3A_127 = arith.constant 250 : i32
      %lt3A_128 = arith.cmpi slt, %add3A_126, %lt3A_127 : i32
      %convert_element_type3A_129 = arith.extui %lt3A_128 : i1 to i32
      %cond3A_130 = arith.constant 0 : i32
      %cond3A_131 = arith.cmpi ne, %convert_element_type3A_129, %cond3A_130 : i32
      scf.if %cond3A_131 {
        %add3A_217 = arith.constant 8 : i32
        %add3A_218 = arith.addi %add3A_118, %add3A_217 : i32
        %dma_start3A_219 = arith.constant 0 : i32
        %dma_start3A_220 = tpu.memref_slice %arg7[%add3A_218, %dma_start3A_219] : memref<250x80xi32, #tpu.memory_space<vmem>> -> memref<1x80xi32, #tpu.memory_space<vmem>>
        %dma_start3A_221 = tpu.memref_squeeze %dma_start3A_220 : memref<1x80xi32, #tpu.memory_space<vmem>> -> memref<80xi32, #tpu.memory_space<vmem>>
        %dma_start3A_222 = arith.constant 0 : i32
        %dma_start3A_223 = arith.constant 0 : i32
        %dma_start3A_224 = tpu.memref_slice %arg2[%dma_start3A_222, %dma_start3A_223] : memref<20000x64xbf16, #tpu.memory_space<hbm>> -> memref<20000x64xbf16, #tpu.memory_space<hbm>>
        tpu.enqueue_indirect_dma source(%dma_start3A_224 : memref<20000x64xbf16, #tpu.memory_space<hbm>>) target(%arg11 : memref<80x64xbf16, #tpu.memory_space<vmem>>) offsets(%dma_start3A_221 : memref<80xi32, #tpu.memory_space<vmem>>) semaphore(%arg20 : memref<!tpu.dma_semaphore, #tpu.memory_space<semaphore_mem>>)
      } else {
      }
      %mul3A_132 = arith.constant 8 : i32
      %mul3A_133 = arith.muli %scan3A_83, %mul3A_132 : i32
      %add3A_134 = arith.constant 3 : i32
      %add3A_135 = arith.addi %mul3A_133, %add3A_134 : i32
      %dma_wait3A_136 = arith.constant 0 : i32
      %dma_wait3A_137 = arith.constant 0 : i32
      %dma_wait3A_138 = tpu.memref_slice %arg2[%dma_wait3A_136, %dma_wait3A_137] : memref<20000x64xbf16, #tpu.memory_space<hbm>> -> memref<80x64xbf16, #tpu.memory_space<hbm>>
      %dma_wait3A_139 = arith.constant 0 : i32
      %dma_wait3A_140 = arith.constant 0 : i32
      %dma_wait3A_141 = tpu.memref_slice %arg2[%dma_wait3A_139, %dma_wait3A_140] : memref<20000x64xbf16, #tpu.memory_space<hbm>> -> memref<80x64xbf16, #tpu.memory_space<hbm>>
      tpu.wait_dma2 semaphore(%arg21 : memref<!tpu.dma_semaphore, #tpu.memory_space<semaphore_mem>>) src(%dma_wait3A_141 : memref<80x64xbf16, #tpu.memory_space<hbm>>) dst(%arg12 : memref<80x64xbf16, #tpu.memory_space<vmem>>)
      "tpu.region"() ({
        %run_scoped3A_217 = tpu.sem_alloc : memref<!tpu.dma_semaphore, #tpu.memory_space<semaphore_mem>>
        %dma_start3A_218 = arith.constant 0 : i32
        %dma_start3A_219 = tpu.memref_slice %arg8[%add3A_135, %dma_start3A_218] : memref<250x80xi32, #tpu.memory_space<vmem>> -> memref<1x80xi32, #tpu.memory_space<vmem>>
        %dma_start3A_220 = tpu.memref_squeeze %dma_start3A_219 : memref<1x80xi32, #tpu.memory_space<vmem>> -> memref<80xi32, #tpu.memory_space<vmem>>
        %dma_start3A_221 = arith.constant 0 : i32
        %dma_start3A_222 = arith.constant 0 : i32
        %dma_start3A_223 = tpu.memref_slice %arg17[%dma_start3A_221, %dma_start3A_222] : memref<10112x64xbf16, #tpu.memory_space<vmem_shared>> -> memref<10112x64xbf16, #tpu.memory_space<vmem_shared>>
        tpu.enqueue_indirect_dma source(%arg12 : memref<80x64xbf16, #tpu.memory_space<vmem>>) target(%dma_start3A_223 : memref<10112x64xbf16, #tpu.memory_space<vmem_shared>>) offsets(%dma_start3A_220 : memref<80xi32, #tpu.memory_space<vmem>>) semaphore(%run_scoped3A_217 : memref<!tpu.dma_semaphore, #tpu.memory_space<semaphore_mem>>) {add = true}
        %dma_wait3A_224 = arith.constant 0 : i32
        %dma_wait3A_225 = tpu.memref_slice %arg8[%add3A_135, %dma_wait3A_224] : memref<250x80xi32, #tpu.memory_space<vmem>> -> memref<1x80xi32, #tpu.memory_space<vmem>>
        %dma_wait3A_226 = tpu.memref_squeeze %dma_wait3A_225 : memref<1x80xi32, #tpu.memory_space<vmem>> -> memref<80xi32, #tpu.memory_space<vmem>>
        %dma_wait3A_227 = arith.constant 0 : i32
        %dma_wait3A_228 = arith.constant 0 : i32
        %dma_wait3A_229 = tpu.memref_slice %arg17[%dma_wait3A_227, %dma_wait3A_228] : memref<10112x64xbf16, #tpu.memory_space<vmem_shared>> -> memref<10112x64xbf16, #tpu.memory_space<vmem_shared>>
        tpu.wait_indirect_dma semaphore(%run_scoped3A_217 : memref<!tpu.dma_semaphore, #tpu.memory_space<semaphore_mem>>) src(%arg12 : memref<80x64xbf16, #tpu.memory_space<vmem>>) dst(%dma_wait3A_229 : memref<10112x64xbf16, #tpu.memory_space<vmem_shared>>)
        tpu.yield
      }) : () -> ()
      %add3A_142 = arith.constant 8 : i32
      %add3A_143 = arith.addi %add3A_135, %add3A_142 : i32
      %lt3A_144 = arith.constant 250 : i32
      %lt3A_145 = arith.cmpi slt, %add3A_143, %lt3A_144 : i32
      %convert_element_type3A_146 = arith.extui %lt3A_145 : i1 to i32
      %cond3A_147 = arith.constant 0 : i32
      %cond3A_148 = arith.cmpi ne, %convert_element_type3A_146, %cond3A_147 : i32
      scf.if %cond3A_148 {
        %add3A_217 = arith.constant 8 : i32
        %add3A_218 = arith.addi %add3A_135, %add3A_217 : i32
        %dma_start3A_219 = arith.constant 0 : i32
        %dma_start3A_220 = tpu.memref_slice %arg7[%add3A_218, %dma_start3A_219] : memref<250x80xi32, #tpu.memory_space<vmem>> -> memref<1x80xi32, #tpu.memory_space<vmem>>
        %dma_start3A_221 = tpu.memref_squeeze %dma_start3A_220 : memref<1x80xi32, #tpu.memory_space<vmem>> -> memref<80xi32, #tpu.memory_space<vmem>>
        %dma_start3A_222 = arith.constant 0 : i32
        %dma_start3A_223 = arith.constant 0 : i32
        %dma_start3A_224 = tpu.memref_slice %arg2[%dma_start3A_222, %dma_start3A_223] : memref<20000x64xbf16, #tpu.memory_space<hbm>> -> memref<20000x64xbf16, #tpu.memory_space<hbm>>
        tpu.enqueue_indirect_dma source(%dma_start3A_224 : memref<20000x64xbf16, #tpu.memory_space<hbm>>) target(%arg12 : memref<80x64xbf16, #tpu.memory_space<vmem>>) offsets(%dma_start3A_221 : memref<80xi32, #tpu.memory_space<vmem>>) semaphore(%arg21 : memref<!tpu.dma_semaphore, #tpu.memory_space<semaphore_mem>>)
      } else {
      }
      %mul3A_149 = arith.constant 8 : i32
      %mul3A_150 = arith.muli %scan3A_83, %mul3A_149 : i32
      %add3A_151 = arith.constant 4 : i32
      %add3A_152 = arith.addi %mul3A_150, %add3A_151 : i32
      %dma_wait3A_153 = arith.constant 0 : i32
      %dma_wait3A_154 = arith.constant 0 : i32
      %dma_wait3A_155 = tpu.memref_slice %arg2[%dma_wait3A_153, %dma_wait3A_154] : memref<20000x64xbf16, #tpu.memory_space<hbm>> -> memref<80x64xbf16, #tpu.memory_space<hbm>>
      %dma_wait3A_156 = arith.constant 0 : i32
      %dma_wait3A_157 = arith.constant 0 : i32
      %dma_wait3A_158 = tpu.memref_slice %arg2[%dma_wait3A_156, %dma_wait3A_157] : memref<20000x64xbf16, #tpu.memory_space<hbm>> -> memref<80x64xbf16, #tpu.memory_space<hbm>>
      tpu.wait_dma2 semaphore(%arg22 : memref<!tpu.dma_semaphore, #tpu.memory_space<semaphore_mem>>) src(%dma_wait3A_158 : memref<80x64xbf16, #tpu.memory_space<hbm>>) dst(%arg13 : memref<80x64xbf16, #tpu.memory_space<vmem>>)
      "tpu.region"() ({
        %run_scoped3A_217 = tpu.sem_alloc : memref<!tpu.dma_semaphore, #tpu.memory_space<semaphore_mem>>
        %dma_start3A_218 = arith.constant 0 : i32
        %dma_start3A_219 = tpu.memref_slice %arg8[%add3A_152, %dma_start3A_218] : memref<250x80xi32, #tpu.memory_space<vmem>> -> memref<1x80xi32, #tpu.memory_space<vmem>>
        %dma_start3A_220 = tpu.memref_squeeze %dma_start3A_219 : memref<1x80xi32, #tpu.memory_space<vmem>> -> memref<80xi32, #tpu.memory_space<vmem>>
        %dma_start3A_221 = arith.constant 0 : i32
        %dma_start3A_222 = arith.constant 0 : i32
        %dma_start3A_223 = tpu.memref_slice %arg17[%dma_start3A_221, %dma_start3A_222] : memref<10112x64xbf16, #tpu.memory_space<vmem_shared>> -> memref<10112x64xbf16, #tpu.memory_space<vmem_shared>>
        tpu.enqueue_indirect_dma source(%arg13 : memref<80x64xbf16, #tpu.memory_space<vmem>>) target(%dma_start3A_223 : memref<10112x64xbf16, #tpu.memory_space<vmem_shared>>) offsets(%dma_start3A_220 : memref<80xi32, #tpu.memory_space<vmem>>) semaphore(%run_scoped3A_217 : memref<!tpu.dma_semaphore, #tpu.memory_space<semaphore_mem>>) {add = true}
        %dma_wait3A_224 = arith.constant 0 : i32
        %dma_wait3A_225 = tpu.memref_slice %arg8[%add3A_152, %dma_wait3A_224] : memref<250x80xi32, #tpu.memory_space<vmem>> -> memref<1x80xi32, #tpu.memory_space<vmem>>
        %dma_wait3A_226 = tpu.memref_squeeze %dma_wait3A_225 : memref<1x80xi32, #tpu.memory_space<vmem>> -> memref<80xi32, #tpu.memory_space<vmem>>
        %dma_wait3A_227 = arith.constant 0 : i32
        %dma_wait3A_228 = arith.constant 0 : i32
        %dma_wait3A_229 = tpu.memref_slice %arg17[%dma_wait3A_227, %dma_wait3A_228] : memref<10112x64xbf16, #tpu.memory_space<vmem_shared>> -> memref<10112x64xbf16, #tpu.memory_space<vmem_shared>>
        tpu.wait_indirect_dma semaphore(%run_scoped3A_217 : memref<!tpu.dma_semaphore, #tpu.memory_space<semaphore_mem>>) src(%arg13 : memref<80x64xbf16, #tpu.memory_space<vmem>>) dst(%dma_wait3A_229 : memref<10112x64xbf16, #tpu.memory_space<vmem_shared>>)
        tpu.yield
      }) : () -> ()
      %add3A_159 = arith.constant 8 : i32
      %add3A_160 = arith.addi %add3A_152, %add3A_159 : i32
      %lt3A_161 = arith.constant 250 : i32
      %lt3A_162 = arith.cmpi slt, %add3A_160, %lt3A_161 : i32
      %convert_element_type3A_163 = arith.extui %lt3A_162 : i1 to i32
      %cond3A_164 = arith.constant 0 : i32
      %cond3A_165 = arith.cmpi ne, %convert_element_type3A_163, %cond3A_164 : i32
      scf.if %cond3A_165 {
        %add3A_217 = arith.constant 8 : i32
        %add3A_218 = arith.addi %add3A_152, %add3A_217 : i32
        %dma_start3A_219 = arith.constant 0 : i32
        %dma_start3A_220 = tpu.memref_slice %arg7[%add3A_218, %dma_start3A_219] : memref<250x80xi32, #tpu.memory_space<vmem>> -> memref<1x80xi32, #tpu.memory_space<vmem>>
        %dma_start3A_221 = tpu.memref_squeeze %dma_start3A_220 : memref<1x80xi32, #tpu.memory_space<vmem>> -> memref<80xi32, #tpu.memory_space<vmem>>
        %dma_start3A_222 = arith.constant 0 : i32
        %dma_start3A_223 = arith.constant 0 : i32
        %dma_start3A_224 = tpu.memref_slice %arg2[%dma_start3A_222, %dma_start3A_223] : memref<20000x64xbf16, #tpu.memory_space<hbm>> -> memref<20000x64xbf16, #tpu.memory_space<hbm>>
        tpu.enqueue_indirect_dma source(%dma_start3A_224 : memref<20000x64xbf16, #tpu.memory_space<hbm>>) target(%arg13 : memref<80x64xbf16, #tpu.memory_space<vmem>>) offsets(%dma_start3A_221 : memref<80xi32, #tpu.memory_space<vmem>>) semaphore(%arg22 : memref<!tpu.dma_semaphore, #tpu.memory_space<semaphore_mem>>)
      } else {
      }
      %mul3A_166 = arith.constant 8 : i32
      %mul3A_167 = arith.muli %scan3A_83, %mul3A_166 : i32
      %add3A_168 = arith.constant 5 : i32
      %add3A_169 = arith.addi %mul3A_167, %add3A_168 : i32
      %dma_wait3A_170 = arith.constant 0 : i32
      %dma_wait3A_171 = arith.constant 0 : i32
      %dma_wait3A_172 = tpu.memref_slice %arg2[%dma_wait3A_170, %dma_wait3A_171] : memref<20000x64xbf16, #tpu.memory_space<hbm>> -> memref<80x64xbf16, #tpu.memory_space<hbm>>
      %dma_wait3A_173 = arith.constant 0 : i32
      %dma_wait3A_174 = arith.constant 0 : i32
      %dma_wait3A_175 = tpu.memref_slice %arg2[%dma_wait3A_173, %dma_wait3A_174] : memref<20000x64xbf16, #tpu.memory_space<hbm>> -> memref<80x64xbf16, #tpu.memory_space<hbm>>
      tpu.wait_dma2 semaphore(%arg23 : memref<!tpu.dma_semaphore, #tpu.memory_space<semaphore_mem>>) src(%dma_wait3A_175 : memref<80x64xbf16, #tpu.memory_space<hbm>>) dst(%arg14 : memref<80x64xbf16, #tpu.memory_space<vmem>>)
      "tpu.region"() ({
        %run_scoped3A_217 = tpu.sem_alloc : memref<!tpu.dma_semaphore, #tpu.memory_space<semaphore_mem>>
        %dma_start3A_218 = arith.constant 0 : i32
        %dma_start3A_219 = tpu.memref_slice %arg8[%add3A_169, %dma_start3A_218] : memref<250x80xi32, #tpu.memory_space<vmem>> -> memref<1x80xi32, #tpu.memory_space<vmem>>
        %dma_start3A_220 = tpu.memref_squeeze %dma_start3A_219 : memref<1x80xi32, #tpu.memory_space<vmem>> -> memref<80xi32, #tpu.memory_space<vmem>>
        %dma_start3A_221 = arith.constant 0 : i32
        %dma_start3A_222 = arith.constant 0 : i32
        %dma_start3A_223 = tpu.memref_slice %arg17[%dma_start3A_221, %dma_start3A_222] : memref<10112x64xbf16, #tpu.memory_space<vmem_shared>> -> memref<10112x64xbf16, #tpu.memory_space<vmem_shared>>
        tpu.enqueue_indirect_dma source(%arg14 : memref<80x64xbf16, #tpu.memory_space<vmem>>) target(%dma_start3A_223 : memref<10112x64xbf16, #tpu.memory_space<vmem_shared>>) offsets(%dma_start3A_220 : memref<80xi32, #tpu.memory_space<vmem>>) semaphore(%run_scoped3A_217 : memref<!tpu.dma_semaphore, #tpu.memory_space<semaphore_mem>>) {add = true}
        %dma_wait3A_224 = arith.constant 0 : i32
        %dma_wait3A_225 = tpu.memref_slice %arg8[%add3A_169, %dma_wait3A_224] : memref<250x80xi32, #tpu.memory_space<vmem>> -> memref<1x80xi32, #tpu.memory_space<vmem>>
        %dma_wait3A_226 = tpu.memref_squeeze %dma_wait3A_225 : memref<1x80xi32, #tpu.memory_space<vmem>> -> memref<80xi32, #tpu.memory_space<vmem>>
        %dma_wait3A_227 = arith.constant 0 : i32
        %dma_wait3A_228 = arith.constant 0 : i32
        %dma_wait3A_229 = tpu.memref_slice %arg17[%dma_wait3A_227, %dma_wait3A_228] : memref<10112x64xbf16, #tpu.memory_space<vmem_shared>> -> memref<10112x64xbf16, #tpu.memory_space<vmem_shared>>
        tpu.wait_indirect_dma semaphore(%run_scoped3A_217 : memref<!tpu.dma_semaphore, #tpu.memory_space<semaphore_mem>>) src(%arg14 : memref<80x64xbf16, #tpu.memory_space<vmem>>) dst(%dma_wait3A_229 : memref<10112x64xbf16, #tpu.memory_space<vmem_shared>>)
        tpu.yield
      }) : () -> ()
      %add3A_176 = arith.constant 8 : i32
      %add3A_177 = arith.addi %add3A_169, %add3A_176 : i32
      %lt3A_178 = arith.constant 250 : i32
      %lt3A_179 = arith.cmpi slt, %add3A_177, %lt3A_178 : i32
      %convert_element_type3A_180 = arith.extui %lt3A_179 : i1 to i32
      %cond3A_181 = arith.constant 0 : i32
      %cond3A_182 = arith.cmpi ne, %convert_element_type3A_180, %cond3A_181 : i32
      scf.if %cond3A_182 {
        %add3A_217 = arith.constant 8 : i32
        %add3A_218 = arith.addi %add3A_169, %add3A_217 : i32
        %dma_start3A_219 = arith.constant 0 : i32
        %dma_start3A_220 = tpu.memref_slice %arg7[%add3A_218, %dma_start3A_219] : memref<250x80xi32, #tpu.memory_space<vmem>> -> memref<1x80xi32, #tpu.memory_space<vmem>>
        %dma_start3A_221 = tpu.memref_squeeze %dma_start3A_220 : memref<1x80xi32, #tpu.memory_space<vmem>> -> memref<80xi32, #tpu.memory_space<vmem>>
        %dma_start3A_222 = arith.constant 0 : i32
        %dma_start3A_223 = arith.constant 0 : i32
        %dma_start3A_224 = tpu.memref_slice %arg2[%dma_start3A_222, %dma_start3A_223] : memref<20000x64xbf16, #tpu.memory_space<hbm>> -> memref<20000x64xbf16, #tpu.memory_space<hbm>>
        tpu.enqueue_indirect_dma source(%dma_start3A_224 : memref<20000x64xbf16, #tpu.memory_space<hbm>>) target(%arg14 : memref<80x64xbf16, #tpu.memory_space<vmem>>) offsets(%dma_start3A_221 : memref<80xi32, #tpu.memory_space<vmem>>) semaphore(%arg23 : memref<!tpu.dma_semaphore, #tpu.memory_space<semaphore_mem>>)
      } else {
      }
      %mul3A_183 = arith.constant 8 : i32
      %mul3A_184 = arith.muli %scan3A_83, %mul3A_183 : i32
      %add3A_185 = arith.constant 6 : i32
      %add3A_186 = arith.addi %mul3A_184, %add3A_185 : i32
      %dma_wait3A_187 = arith.constant 0 : i32
      %dma_wait3A_188 = arith.constant 0 : i32
      %dma_wait3A_189 = tpu.memref_slice %arg2[%dma_wait3A_187, %dma_wait3A_188] : memref<20000x64xbf16, #tpu.memory_space<hbm>> -> memref<80x64xbf16, #tpu.memory_space<hbm>>
      %dma_wait3A_190 = arith.constant 0 : i32
      %dma_wait3A_191 = arith.constant 0 : i32
      %dma_wait3A_192 = tpu.memref_slice %arg2[%dma_wait3A_190, %dma_wait3A_191] : memref<20000x64xbf16, #tpu.memory_space<hbm>> -> memref<80x64xbf16, #tpu.memory_space<hbm>>
      tpu.wait_dma2 semaphore(%arg24 : memref<!tpu.dma_semaphore, #tpu.memory_space<semaphore_mem>>) src(%dma_wait3A_192 : memref<80x64xbf16, #tpu.memory_space<hbm>>) dst(%arg15 : memref<80x64xbf16, #tpu.memory_space<vmem>>)
      "tpu.region"() ({
        %run_scoped3A_217 = tpu.sem_alloc : memref<!tpu.dma_semaphore, #tpu.memory_space<semaphore_mem>>
        %dma_start3A_218 = arith.constant 0 : i32
        %dma_start3A_219 = tpu.memref_slice %arg8[%add3A_186, %dma_start3A_218] : memref<250x80xi32, #tpu.memory_space<vmem>> -> memref<1x80xi32, #tpu.memory_space<vmem>>
        %dma_start3A_220 = tpu.memref_squeeze %dma_start3A_219 : memref<1x80xi32, #tpu.memory_space<vmem>> -> memref<80xi32, #tpu.memory_space<vmem>>
        %dma_start3A_221 = arith.constant 0 : i32
        %dma_start3A_222 = arith.constant 0 : i32
        %dma_start3A_223 = tpu.memref_slice %arg17[%dma_start3A_221, %dma_start3A_222] : memref<10112x64xbf16, #tpu.memory_space<vmem_shared>> -> memref<10112x64xbf16, #tpu.memory_space<vmem_shared>>
        tpu.enqueue_indirect_dma source(%arg15 : memref<80x64xbf16, #tpu.memory_space<vmem>>) target(%dma_start3A_223 : memref<10112x64xbf16, #tpu.memory_space<vmem_shared>>) offsets(%dma_start3A_220 : memref<80xi32, #tpu.memory_space<vmem>>) semaphore(%run_scoped3A_217 : memref<!tpu.dma_semaphore, #tpu.memory_space<semaphore_mem>>) {add = true}
        %dma_wait3A_224 = arith.constant 0 : i32
        %dma_wait3A_225 = tpu.memref_slice %arg8[%add3A_186, %dma_wait3A_224] : memref<250x80xi32, #tpu.memory_space<vmem>> -> memref<1x80xi32, #tpu.memory_space<vmem>>
        %dma_wait3A_226 = tpu.memref_squeeze %dma_wait3A_225 : memref<1x80xi32, #tpu.memory_space<vmem>> -> memref<80xi32, #tpu.memory_space<vmem>>
        %dma_wait3A_227 = arith.constant 0 : i32
        %dma_wait3A_228 = arith.constant 0 : i32
        %dma_wait3A_229 = tpu.memref_slice %arg17[%dma_wait3A_227, %dma_wait3A_228] : memref<10112x64xbf16, #tpu.memory_space<vmem_shared>> -> memref<10112x64xbf16, #tpu.memory_space<vmem_shared>>
        tpu.wait_indirect_dma semaphore(%run_scoped3A_217 : memref<!tpu.dma_semaphore, #tpu.memory_space<semaphore_mem>>) src(%arg15 : memref<80x64xbf16, #tpu.memory_space<vmem>>) dst(%dma_wait3A_229 : memref<10112x64xbf16, #tpu.memory_space<vmem_shared>>)
        tpu.yield
      }) : () -> ()
      %add3A_193 = arith.constant 8 : i32
      %add3A_194 = arith.addi %add3A_186, %add3A_193 : i32
      %lt3A_195 = arith.constant 250 : i32
      %lt3A_196 = arith.cmpi slt, %add3A_194, %lt3A_195 : i32
      %convert_element_type3A_197 = arith.extui %lt3A_196 : i1 to i32
      %cond3A_198 = arith.constant 0 : i32
      %cond3A_199 = arith.cmpi ne, %convert_element_type3A_197, %cond3A_198 : i32
      scf.if %cond3A_199 {
        %add3A_217 = arith.constant 8 : i32
        %add3A_218 = arith.addi %add3A_186, %add3A_217 : i32
        %dma_start3A_219 = arith.constant 0 : i32
        %dma_start3A_220 = tpu.memref_slice %arg7[%add3A_218, %dma_start3A_219] : memref<250x80xi32, #tpu.memory_space<vmem>> -> memref<1x80xi32, #tpu.memory_space<vmem>>
        %dma_start3A_221 = tpu.memref_squeeze %dma_start3A_220 : memref<1x80xi32, #tpu.memory_space<vmem>> -> memref<80xi32, #tpu.memory_space<vmem>>
        %dma_start3A_222 = arith.constant 0 : i32
        %dma_start3A_223 = arith.constant 0 : i32
        %dma_start3A_224 = tpu.memref_slice %arg2[%dma_start3A_222, %dma_start3A_223] : memref<20000x64xbf16, #tpu.memory_space<hbm>> -> memref<20000x64xbf16, #tpu.memory_space<hbm>>
        tpu.enqueue_indirect_dma source(%dma_start3A_224 : memref<20000x64xbf16, #tpu.memory_space<hbm>>) target(%arg15 : memref<80x64xbf16, #tpu.memory_space<vmem>>) offsets(%dma_start3A_221 : memref<80xi32, #tpu.memory_space<vmem>>) semaphore(%arg24 : memref<!tpu.dma_semaphore, #tpu.memory_space<semaphore_mem>>)
      } else {
      }
      %mul3A_200 = arith.constant 8 : i32
      %mul3A_201 = arith.muli %scan3A_83, %mul3A_200 : i32
      %add3A_202 = arith.constant 7 : i32
      %add3A_203 = arith.addi %mul3A_201, %add3A_202 : i32
      %dma_wait3A_204 = arith.constant 0 : i32
      %dma_wait3A_205 = arith.constant 0 : i32
      %dma_wait3A_206 = tpu.memref_slice %arg2[%dma_wait3A_204, %dma_wait3A_205] : memref<20000x64xbf16, #tpu.memory_space<hbm>> -> memref<80x64xbf16, #tpu.memory_space<hbm>>
      %dma_wait3A_207 = arith.constant 0 : i32
      %dma_wait3A_208 = arith.constant 0 : i32
      %dma_wait3A_209 = tpu.memref_slice %arg2[%dma_wait3A_207, %dma_wait3A_208] : memref<20000x64xbf16, #tpu.memory_space<hbm>> -> memref<80x64xbf16, #tpu.memory_space<hbm>>
      tpu.wait_dma2 semaphore(%arg25 : memref<!tpu.dma_semaphore, #tpu.memory_space<semaphore_mem>>) src(%dma_wait3A_209 : memref<80x64xbf16, #tpu.memory_space<hbm>>) dst(%arg16 : memref<80x64xbf16, #tpu.memory_space<vmem>>)
      "tpu.region"() ({
        %run_scoped3A_217 = tpu.sem_alloc : memref<!tpu.dma_semaphore, #tpu.memory_space<semaphore_mem>>
        %dma_start3A_218 = arith.constant 0 : i32
        %dma_start3A_219 = tpu.memref_slice %arg8[%add3A_203, %dma_start3A_218] : memref<250x80xi32, #tpu.memory_space<vmem>> -> memref<1x80xi32, #tpu.memory_space<vmem>>
        %dma_start3A_220 = tpu.memref_squeeze %dma_start3A_219 : memref<1x80xi32, #tpu.memory_space<vmem>> -> memref<80xi32, #tpu.memory_space<vmem>>
        %dma_start3A_221 = arith.constant 0 : i32
        %dma_start3A_222 = arith.constant 0 : i32
        %dma_start3A_223 = tpu.memref_slice %arg17[%dma_start3A_221, %dma_start3A_222] : memref<10112x64xbf16, #tpu.memory_space<vmem_shared>> -> memref<10112x64xbf16, #tpu.memory_space<vmem_shared>>
        tpu.enqueue_indirect_dma source(%arg16 : memref<80x64xbf16, #tpu.memory_space<vmem>>) target(%dma_start3A_223 : memref<10112x64xbf16, #tpu.memory_space<vmem_shared>>) offsets(%dma_start3A_220 : memref<80xi32, #tpu.memory_space<vmem>>) semaphore(%run_scoped3A_217 : memref<!tpu.dma_semaphore, #tpu.memory_space<semaphore_mem>>) {add = true}
        %dma_wait3A_224 = arith.constant 0 : i32
        %dma_wait3A_225 = tpu.memref_slice %arg8[%add3A_203, %dma_wait3A_224] : memref<250x80xi32, #tpu.memory_space<vmem>> -> memref<1x80xi32, #tpu.memory_space<vmem>>
        %dma_wait3A_226 = tpu.memref_squeeze %dma_wait3A_225 : memref<1x80xi32, #tpu.memory_space<vmem>> -> memref<80xi32, #tpu.memory_space<vmem>>
        %dma_wait3A_227 = arith.constant 0 : i32
        %dma_wait3A_228 = arith.constant 0 : i32
        %dma_wait3A_229 = tpu.memref_slice %arg17[%dma_wait3A_227, %dma_wait3A_228] : memref<10112x64xbf16, #tpu.memory_space<vmem_shared>> -> memref<10112x64xbf16, #tpu.memory_space<vmem_shared>>
        tpu.wait_indirect_dma semaphore(%run_scoped3A_217 : memref<!tpu.dma_semaphore, #tpu.memory_space<semaphore_mem>>) src(%arg16 : memref<80x64xbf16, #tpu.memory_space<vmem>>) dst(%dma_wait3A_229 : memref<10112x64xbf16, #tpu.memory_space<vmem_shared>>)
        tpu.yield
      }) : () -> ()
      %add3A_210 = arith.constant 8 : i32
      %add3A_211 = arith.addi %add3A_203, %add3A_210 : i32
      %lt3A_212 = arith.constant 250 : i32
      %lt3A_213 = arith.cmpi slt, %add3A_211, %lt3A_212 : i32
      %convert_element_type3A_214 = arith.extui %lt3A_213 : i1 to i32
      %cond3A_215 = arith.constant 0 : i32
      %cond3A_216 = arith.cmpi ne, %convert_element_type3A_214, %cond3A_215 : i32
      scf.if %cond3A_216 {
        %add3A_217 = arith.constant 8 : i32
        %add3A_218 = arith.addi %add3A_203, %add3A_217 : i32
        %dma_start3A_219 = arith.constant 0 : i32
        %dma_start3A_220 = tpu.memref_slice %arg7[%add3A_218, %dma_start3A_219] : memref<250x80xi32, #tpu.memory_space<vmem>> -> memref<1x80xi32, #tpu.memory_space<vmem>>
        %dma_start3A_221 = tpu.memref_squeeze %dma_start3A_220 : memref<1x80xi32, #tpu.memory_space<vmem>> -> memref<80xi32, #tpu.memory_space<vmem>>
        %dma_start3A_222 = arith.constant 0 : i32
        %dma_start3A_223 = arith.constant 0 : i32
        %dma_start3A_224 = tpu.memref_slice %arg2[%dma_start3A_222, %dma_start3A_223] : memref<20000x64xbf16, #tpu.memory_space<hbm>> -> memref<20000x64xbf16, #tpu.memory_space<hbm>>
        tpu.enqueue_indirect_dma source(%dma_start3A_224 : memref<20000x64xbf16, #tpu.memory_space<hbm>>) target(%arg16 : memref<80x64xbf16, #tpu.memory_space<vmem>>) offsets(%dma_start3A_221 : memref<80xi32, #tpu.memory_space<vmem>>) semaphore(%arg25 : memref<!tpu.dma_semaphore, #tpu.memory_space<semaphore_mem>>)
      } else {
      }
    }
    %scan3A_62 = arith.constant 31 : i32
    %dma_wait3A = arith.constant 0 : i32
    %dma_wait3A_63 = arith.constant 0 : i32
    %dma_wait3A_64 = tpu.memref_slice %arg2[%dma_wait3A, %dma_wait3A_63] : memref<20000x64xbf16, #tpu.memory_space<hbm>> -> memref<80x64xbf16, #tpu.memory_space<hbm>>
    %dma_wait3A_65 = arith.constant 0 : i32
    %dma_wait3A_66 = arith.constant 0 : i32
    %dma_wait3A_67 = tpu.memref_slice %arg2[%dma_wait3A_65, %dma_wait3A_66] : memref<20000x64xbf16, #tpu.memory_space<hbm>> -> memref<80x64xbf16, #tpu.memory_space<hbm>>
    tpu.wait_dma2 semaphore(%arg18 : memref<!tpu.dma_semaphore, #tpu.memory_space<semaphore_mem>>) src(%dma_wait3A_67 : memref<80x64xbf16, #tpu.memory_space<hbm>>) dst(%arg9 : memref<80x64xbf16, #tpu.memory_space<vmem>>)
    %run_scoped3A = arith.constant 248 : i32
    "tpu.region"() ({
      %run_scoped3A_83 = tpu.sem_alloc : memref<!tpu.dma_semaphore, #tpu.memory_space<semaphore_mem>>
      %dma_start3A_84 = arith.constant 0 : i32
      %dma_start3A_85 = tpu.memref_slice %arg8[%run_scoped3A, %dma_start3A_84] : memref<250x80xi32, #tpu.memory_space<vmem>> -> memref<1x80xi32, #tpu.memory_space<vmem>>
      %dma_start3A_86 = tpu.memref_squeeze %dma_start3A_85 : memref<1x80xi32, #tpu.memory_space<vmem>> -> memref<80xi32, #tpu.memory_space<vmem>>
      %dma_start3A_87 = arith.constant 0 : i32
      %dma_start3A_88 = arith.constant 0 : i32
      %dma_start3A_89 = tpu.memref_slice %arg17[%dma_start3A_87, %dma_start3A_88] : memref<10112x64xbf16, #tpu.memory_space<vmem_shared>> -> memref<10112x64xbf16, #tpu.memory_space<vmem_shared>>
      tpu.enqueue_indirect_dma source(%arg9 : memref<80x64xbf16, #tpu.memory_space<vmem>>) target(%dma_start3A_89 : memref<10112x64xbf16, #tpu.memory_space<vmem_shared>>) offsets(%dma_start3A_86 : memref<80xi32, #tpu.memory_space<vmem>>) semaphore(%run_scoped3A_83 : memref<!tpu.dma_semaphore, #tpu.memory_space<semaphore_mem>>) {add = true}
      %dma_wait3A_90 = arith.constant 0 : i32
      %dma_wait3A_91 = tpu.memref_slice %arg8[%run_scoped3A, %dma_wait3A_90] : memref<250x80xi32, #tpu.memory_space<vmem>> -> memref<1x80xi32, #tpu.memory_space<vmem>>
      %dma_wait3A_92 = tpu.memref_squeeze %dma_wait3A_91 : memref<1x80xi32, #tpu.memory_space<vmem>> -> memref<80xi32, #tpu.memory_space<vmem>>
      %dma_wait3A_93 = arith.constant 0 : i32
      %dma_wait3A_94 = arith.constant 0 : i32
      %dma_wait3A_95 = tpu.memref_slice %arg17[%dma_wait3A_93, %dma_wait3A_94] : memref<10112x64xbf16, #tpu.memory_space<vmem_shared>> -> memref<10112x64xbf16, #tpu.memory_space<vmem_shared>>
      tpu.wait_indirect_dma semaphore(%run_scoped3A_83 : memref<!tpu.dma_semaphore, #tpu.memory_space<semaphore_mem>>) src(%arg9 : memref<80x64xbf16, #tpu.memory_space<vmem>>) dst(%dma_wait3A_95 : memref<10112x64xbf16, #tpu.memory_space<vmem_shared>>)
      tpu.yield
    }) : () -> ()
    %dma_wait3A_68 = arith.constant 0 : i32
    %dma_wait3A_69 = arith.constant 0 : i32
    %dma_wait3A_70 = tpu.memref_slice %arg2[%dma_wait3A_68, %dma_wait3A_69] : memref<20000x64xbf16, #tpu.memory_space<hbm>> -> memref<80x64xbf16, #tpu.memory_space<hbm>>
    %dma_wait3A_71 = arith.constant 0 : i32
    %dma_wait3A_72 = arith.constant 0 : i32
    %dma_wait3A_73 = tpu.memref_slice %arg2[%dma_wait3A_71, %dma_wait3A_72] : memref<20000x64xbf16, #tpu.memory_space<hbm>> -> memref<80x64xbf16, #tpu.memory_space<hbm>>
    tpu.wait_dma2 semaphore(%arg19 : memref<!tpu.dma_semaphore, #tpu.memory_space<semaphore_mem>>) src(%dma_wait3A_73 : memref<80x64xbf16, #tpu.memory_space<hbm>>) dst(%arg10 : memref<80x64xbf16, #tpu.memory_space<vmem>>)
    %run_scoped3A_74 = arith.constant 249 : i32
    "tpu.region"() ({
      %run_scoped3A_83 = tpu.sem_alloc : memref<!tpu.dma_semaphore, #tpu.memory_space<semaphore_mem>>
      %dma_start3A_84 = arith.constant 0 : i32
      %dma_start3A_85 = tpu.memref_slice %arg8[%run_scoped3A_74, %dma_start3A_84] : memref<250x80xi32, #tpu.memory_space<vmem>> -> memref<1x80xi32, #tpu.memory_space<vmem>>
      %dma_start3A_86 = tpu.memref_squeeze %dma_start3A_85 : memref<1x80xi32, #tpu.memory_space<vmem>> -> memref<80xi32, #tpu.memory_space<vmem>>
      %dma_start3A_87 = arith.constant 0 : i32
      %dma_start3A_88 = arith.constant 0 : i32
      %dma_start3A_89 = tpu.memref_slice %arg17[%dma_start3A_87, %dma_start3A_88] : memref<10112x64xbf16, #tpu.memory_space<vmem_shared>> -> memref<10112x64xbf16, #tpu.memory_space<vmem_shared>>
      tpu.enqueue_indirect_dma source(%arg10 : memref<80x64xbf16, #tpu.memory_space<vmem>>) target(%dma_start3A_89 : memref<10112x64xbf16, #tpu.memory_space<vmem_shared>>) offsets(%dma_start3A_86 : memref<80xi32, #tpu.memory_space<vmem>>) semaphore(%run_scoped3A_83 : memref<!tpu.dma_semaphore, #tpu.memory_space<semaphore_mem>>) {add = true}
      %dma_wait3A_90 = arith.constant 0 : i32
      %dma_wait3A_91 = tpu.memref_slice %arg8[%run_scoped3A_74, %dma_wait3A_90] : memref<250x80xi32, #tpu.memory_space<vmem>> -> memref<1x80xi32, #tpu.memory_space<vmem>>
      %dma_wait3A_92 = tpu.memref_squeeze %dma_wait3A_91 : memref<1x80xi32, #tpu.memory_space<vmem>> -> memref<80xi32, #tpu.memory_space<vmem>>
      %dma_wait3A_93 = arith.constant 0 : i32
      %dma_wait3A_94 = arith.constant 0 : i32
      %dma_wait3A_95 = tpu.memref_slice %arg17[%dma_wait3A_93, %dma_wait3A_94] : memref<10112x64xbf16, #tpu.memory_space<vmem_shared>> -> memref<10112x64xbf16, #tpu.memory_space<vmem_shared>>
      tpu.wait_indirect_dma semaphore(%run_scoped3A_83 : memref<!tpu.dma_semaphore, #tpu.memory_space<semaphore_mem>>) src(%arg10 : memref<80x64xbf16, #tpu.memory_space<vmem>>) dst(%dma_wait3A_95 : memref<10112x64xbf16, #tpu.memory_space<vmem_shared>>)
      tpu.yield
    }) : () -> ()
    %barrier3A_75 = arith.constant 0 : index
    tpu.barrier barrier_id(%barrier3A_75)
    %mul3A_76 = arith.constant 632 : i32
    %mul3A_77 = arith.muli %arg1, %mul3A_76 : i32
    %mul3A_78 = arith.constant 10112 : i32
    %mul3A_79 = arith.muli %arg0, %mul3A_78 : i32
    %mul3A_80 = arith.constant 632 : i32
    %mul3A_81 = arith.muli %arg1, %mul3A_80 : i32
    %add3A_82 = arith.addi %mul3A_79, %mul3A_81 : i32
    "tpu.region"() ({
      %run_scoped3A_83 = tpu.sem_alloc : memref<!tpu.dma_semaphore, #tpu.memory_space<semaphore_mem>>
      %dma_start3A_84 = arith.constant 0 : i32
      %dma_start3A_85 = tpu.memref_slice %arg6[%add3A_82, %dma_start3A_84] : memref<20224x64xbf16, #tpu.memory_space<hbm>> -> memref<632x64xbf16, #tpu.memory_space<hbm>>
      %dma_start3A_86 = arith.constant 0 : i32
      %dma_start3A_87 = tpu.memref_slice %arg17[%mul3A_77, %dma_start3A_86] : memref<10112x64xbf16, #tpu.memory_space<vmem_shared>> -> memref<632x64xbf16, #tpu.memory_space<vmem_shared>>
      tpu.enqueue_dma source(%dma_start3A_87 : memref<632x64xbf16, #tpu.memory_space<vmem_shared>>) target(%dma_start3A_85 : memref<632x64xbf16, #tpu.memory_space<hbm>>) target_semaphore(%run_scoped3A_83 : memref<!tpu.dma_semaphore, #tpu.memory_space<semaphore_mem>>)
      %dma_wait3A_88 = arith.constant 0 : i32
      %dma_wait3A_89 = tpu.memref_slice %arg6[%add3A_82, %dma_wait3A_88] : memref<20224x64xbf16, #tpu.memory_space<hbm>> -> memref<632x64xbf16, #tpu.memory_space<hbm>>
      %dma_wait3A_90 = arith.constant 0 : i32
      %dma_wait3A_91 = tpu.memref_slice %arg17[%mul3A_77, %dma_wait3A_90] : memref<10112x64xbf16, #tpu.memory_space<vmem_shared>> -> memref<632x64xbf16, #tpu.memory_space<vmem_shared>>
      tpu.wait_dma2 semaphore(%run_scoped3A_83 : memref<!tpu.dma_semaphore, #tpu.memory_space<semaphore_mem>>) src(%dma_wait3A_91 : memref<632x64xbf16, #tpu.memory_space<vmem_shared>>) dst(%dma_wait3A_89 : memref<632x64xbf16, #tpu.memory_space<hbm>>)
      tpu.yield
    }) : () -> ()
    return
  }
}

#map = affine_map<(d0, d1) -> (0, 0)>
#map1 = affine_map<(d0, d1) -> (0, 0, 0)>
module attributes {stable_mosaic.version = 14 : i64} {
  func.func @_sc_aggregate(%arg0: i32, %arg1: i32, %arg2: memref<20000x64xbf16, #tpu.memory_space<hbm>>, %arg3: memref<32x250x80xi32, #tpu.memory_space<hbm>>, %arg4: memref<16x250x80xi32, #tpu.memory_space<hbm>>, %arg5: memref<632x64xbf16, #tpu.memory_space<hbm>>, %arg6: memref<20224x64xbf16, #tpu.memory_space<hbm>>, %arg7: memref<250x80xi32, #tpu.memory_space<vmem>>, %arg8: memref<250x80xi32, #tpu.memory_space<vmem>>, %arg9: memref<80x64xbf16, #tpu.memory_space<vmem>>, %arg10: memref<80x64xbf16, #tpu.memory_space<vmem>>, %arg11: memref<80x64xbf16, #tpu.memory_space<vmem>>, %arg12: memref<80x64xbf16, #tpu.memory_space<vmem>>, %arg13: memref<80x64xbf16, #tpu.memory_space<vmem>>, %arg14: memref<80x64xbf16, #tpu.memory_space<vmem>>, %arg15: memref<80x64xbf16, #tpu.memory_space<vmem>>, %arg16: memref<80x64xbf16, #tpu.memory_space<vmem>>, %arg17: memref<10112x64xbf16, #tpu.memory_space<vmem_shared>>, %arg18: memref<!tpu.dma_semaphore, #tpu.memory_space<semaphore_mem>>, %arg19: memref<!tpu.dma_semaphore, #tpu.memory_space<semaphore_mem>>, %arg20: memref<!tpu.dma_semaphore, #tpu.memory_space<semaphore_mem>>, %arg21: memref<!tpu.dma_semaphore, #tpu.memory_space<semaphore_mem>>, %arg22: memref<!tpu.dma_semaphore, #tpu.memory_space<semaphore_mem>>, %arg23: memref<!tpu.dma_semaphore, #tpu.memory_space<semaphore_mem>>, %arg24: memref<!tpu.dma_semaphore, #tpu.memory_space<semaphore_mem>>, %arg25: memref<!tpu.dma_semaphore, #tpu.memory_space<semaphore_mem>>) attributes {dimension_semantics = [#tpu.dimension_semantics<core_parallel>, #tpu.dimension_semantics<subcore_parallel>], iteration_bounds = array<i64: 2, 16>, scalar_prefetch = 0 : i64, scratch_operands = 19 : i64, tpu.core_type = #tpu.core_type<sc_vector_subcore>, window_params = [{transform_indices = #map}, {transform_indices = #map1}, {transform_indices = #map1}, {transform_indices = #map}, {transform_indices = #map}]} {
    %mul3A = arith.constant 16 : i32
    %mul3A_0 = arith.muli %arg0, %mul3A : i32
    %add3A = arith.addi %mul3A_0, %arg1 : i32
    "tpu.region"() ({
      %run_scoped3A_83 = tpu.sem_alloc : memref<!tpu.dma_semaphore, #tpu.memory_space<semaphore_mem>>
      %dma_start3A_84 = arith.constant 0 : i32
      %dma_start3A_85 = arith.constant 0 : i32
      %dma_start3A_86 = tpu.memref_slice %arg3[%add3A, %dma_start3A_84, %dma_start3A_85] : memref<32x250x80xi32, #tpu.memory_space<hbm>> -> memref<1x250x80xi32, #tpu.memory_space<hbm>>
      %dma_start3A_87 = tpu.memref_squeeze %dma_start3A_86 : memref<1x250x80xi32, #tpu.memory_space<hbm>> -> memref<250x80xi32, #tpu.memory_space<hbm>>
      %dma_start3A_88 = arith.constant 0 : i32
      %dma_start3A_89 = arith.constant 0 : i32
      %dma_start3A_90 = tpu.memref_slice %arg3[%add3A, %dma_start3A_88, %dma_start3A_89] : memref<32x250x80xi32, #tpu.memory_space<hbm>> -> memref<1x250x80xi32, #tpu.memory_space<hbm>>
      %dma_start3A_91 = tpu.memref_squeeze %dma_start3A_90 : memref<1x250x80xi32, #tpu.memory_space<hbm>> -> memref<250x80xi32, #tpu.memory_space<hbm>>
      tpu.enqueue_dma source(%dma_start3A_91 : memref<250x80xi32, #tpu.memory_space<hbm>>) target(%arg7 : memref<250x80xi32, #tpu.memory_space<vmem>>) target_semaphore(%run_scoped3A_83 : memref<!tpu.dma_semaphore, #tpu.memory_space<semaphore_mem>>)
      %dma_wait3A_92 = arith.constant 0 : i32
      %dma_wait3A_93 = arith.constant 0 : i32
      %dma_wait3A_94 = tpu.memref_slice %arg3[%add3A, %dma_wait3A_92, %dma_wait3A_93] : memref<32x250x80xi32, #tpu.memory_space<hbm>> -> memref<1x250x80xi32, #tpu.memory_space<hbm>>
      %dma_wait3A_95 = tpu.memref_squeeze %dma_wait3A_94 : memref<1x250x80xi32, #tpu.memory_space<hbm>> -> memref<250x80xi32, #tpu.memory_space<hbm>>
      %dma_wait3A_96 = arith.constant 0 : i32
      %dma_wait3A_97 = arith.constant 0 : i32
      %dma_wait3A_98 = tpu.memref_slice %arg3[%add3A, %dma_wait3A_96, %dma_wait3A_97] : memref<32x250x80xi32, #tpu.memory_space<hbm>> -> memref<1x250x80xi32, #tpu.memory_space<hbm>>
      %dma_wait3A_99 = tpu.memref_squeeze %dma_wait3A_98 : memref<1x250x80xi32, #tpu.memory_space<hbm>> -> memref<250x80xi32, #tpu.memory_space<hbm>>
      tpu.wait_dma2 semaphore(%run_scoped3A_83 : memref<!tpu.dma_semaphore, #tpu.memory_space<semaphore_mem>>) src(%dma_wait3A_99 : memref<250x80xi32, #tpu.memory_space<hbm>>) dst(%arg7 : memref<250x80xi32, #tpu.memory_space<vmem>>)
      tpu.yield
    }) : () -> ()
    "tpu.region"() ({
      %run_scoped3A_83 = tpu.sem_alloc : memref<!tpu.dma_semaphore, #tpu.memory_space<semaphore_mem>>
      %dma_start3A_84 = arith.constant 0 : i32
      %dma_start3A_85 = arith.constant 0 : i32
      %dma_start3A_86 = tpu.memref_slice %arg4[%arg1, %dma_start3A_84, %dma_start3A_85] : memref<16x250x80xi32, #tpu.memory_space<hbm>> -> memref<1x250x80xi32, #tpu.memory_space<hbm>>
      %dma_start3A_87 = tpu.memref_squeeze %dma_start3A_86 : memref<1x250x80xi32, #tpu.memory_space<hbm>> -> memref<250x80xi32, #tpu.memory_space<hbm>>
      %dma_start3A_88 = arith.constant 0 : i32
      %dma_start3A_89 = arith.constant 0 : i32
      %dma_start3A_90 = tpu.memref_slice %arg4[%arg1, %dma_start3A_88, %dma_start3A_89] : memref<16x250x80xi32, #tpu.memory_space<hbm>> -> memref<1x250x80xi32, #tpu.memory_space<hbm>>
      %dma_start3A_91 = tpu.memref_squeeze %dma_start3A_90 : memref<1x250x80xi32, #tpu.memory_space<hbm>> -> memref<250x80xi32, #tpu.memory_space<hbm>>
      tpu.enqueue_dma source(%dma_start3A_91 : memref<250x80xi32, #tpu.memory_space<hbm>>) target(%arg8 : memref<250x80xi32, #tpu.memory_space<vmem>>) target_semaphore(%run_scoped3A_83 : memref<!tpu.dma_semaphore, #tpu.memory_space<semaphore_mem>>)
      %dma_wait3A_92 = arith.constant 0 : i32
      %dma_wait3A_93 = arith.constant 0 : i32
      %dma_wait3A_94 = tpu.memref_slice %arg4[%arg1, %dma_wait3A_92, %dma_wait3A_93] : memref<16x250x80xi32, #tpu.memory_space<hbm>> -> memref<1x250x80xi32, #tpu.memory_space<hbm>>
      %dma_wait3A_95 = tpu.memref_squeeze %dma_wait3A_94 : memref<1x250x80xi32, #tpu.memory_space<hbm>> -> memref<250x80xi32, #tpu.memory_space<hbm>>
      %dma_wait3A_96 = arith.constant 0 : i32
      %dma_wait3A_97 = arith.constant 0 : i32
      %dma_wait3A_98 = tpu.memref_slice %arg4[%arg1, %dma_wait3A_96, %dma_wait3A_97] : memref<16x250x80xi32, #tpu.memory_space<hbm>> -> memref<1x250x80xi32, #tpu.memory_space<hbm>>
      %dma_wait3A_99 = tpu.memref_squeeze %dma_wait3A_98 : memref<1x250x80xi32, #tpu.memory_space<hbm>> -> memref<250x80xi32, #tpu.memory_space<hbm>>
      tpu.wait_dma2 semaphore(%run_scoped3A_83 : memref<!tpu.dma_semaphore, #tpu.memory_space<semaphore_mem>>) src(%dma_wait3A_99 : memref<250x80xi32, #tpu.memory_space<hbm>>) dst(%arg8 : memref<250x80xi32, #tpu.memory_space<vmem>>)
      tpu.yield
    }) : () -> ()
    %dma_start3A = arith.constant 0 : i32
    %dma_start3A_1 = arith.constant 0 : i32
    %dma_start3A_2 = tpu.memref_slice %arg7[%dma_start3A, %dma_start3A_1] : memref<250x80xi32, #tpu.memory_space<vmem>> -> memref<1x80xi32, #tpu.memory_space<vmem>>
    %dma_start3A_3 = tpu.memref_squeeze %dma_start3A_2 : memref<1x80xi32, #tpu.memory_space<vmem>> -> memref<80xi32, #tpu.memory_space<vmem>>
    %dma_start3A_4 = arith.constant 0 : i32
    %dma_start3A_5 = arith.constant 0 : i32
    %dma_start3A_6 = tpu.memref_slice %arg2[%dma_start3A_4, %dma_start3A_5] : memref<20000x64xbf16, #tpu.memory_space<hbm>> -> memref<20000x64xbf16, #tpu.memory_space<hbm>>
    tpu.enqueue_indirect_dma source(%dma_start3A_6 : memref<20000x64xbf16, #tpu.memory_space<hbm>>) target(%arg9 : memref<80x64xbf16, #tpu.memory_space<vmem>>) offsets(%dma_start3A_3 : memref<80xi32, #tpu.memory_space<vmem>>) semaphore(%arg18 : memref<!tpu.dma_semaphore, #tpu.memory_space<semaphore_mem>>)
    %dma_start3A_7 = arith.constant 1 : i32
    %dma_start3A_8 = arith.constant 0 : i32
    %dma_start3A_9 = tpu.memref_slice %arg7[%dma_start3A_7, %dma_start3A_8] : memref<250x80xi32, #tpu.memory_space<vmem>> -> memref<1x80xi32, #tpu.memory_space<vmem>>
    %dma_start3A_10 = tpu.memref_squeeze %dma_start3A_9 : memref<1x80xi32, #tpu.memory_space<vmem>> -> memref<80xi32, #tpu.memory_space<vmem>>
    %dma_start3A_11 = arith.constant 0 : i32
    %dma_start3A_12 = arith.constant 0 : i32
    %dma_start3A_13 = tpu.memref_slice %arg2[%dma_start3A_11, %dma_start3A_12] : memref<20000x64xbf16, #tpu.memory_space<hbm>> -> memref<20000x64xbf16, #tpu.memory_space<hbm>>
    tpu.enqueue_indirect_dma source(%dma_start3A_13 : memref<20000x64xbf16, #tpu.memory_space<hbm>>) target(%arg10 : memref<80x64xbf16, #tpu.memory_space<vmem>>) offsets(%dma_start3A_10 : memref<80xi32, #tpu.memory_space<vmem>>) semaphore(%arg19 : memref<!tpu.dma_semaphore, #tpu.memory_space<semaphore_mem>>)
    %dma_start3A_14 = arith.constant 2 : i32
    %dma_start3A_15 = arith.constant 0 : i32
    %dma_start3A_16 = tpu.memref_slice %arg7[%dma_start3A_14, %dma_start3A_15] : memref<250x80xi32, #tpu.memory_space<vmem>> -> memref<1x80xi32, #tpu.memory_space<vmem>>
    %dma_start3A_17 = tpu.memref_squeeze %dma_start3A_16 : memref<1x80xi32, #tpu.memory_space<vmem>> -> memref<80xi32, #tpu.memory_space<vmem>>
    %dma_start3A_18 = arith.constant 0 : i32
    %dma_start3A_19 = arith.constant 0 : i32
    %dma_start3A_20 = tpu.memref_slice %arg2[%dma_start3A_18, %dma_start3A_19] : memref<20000x64xbf16, #tpu.memory_space<hbm>> -> memref<20000x64xbf16, #tpu.memory_space<hbm>>
    tpu.enqueue_indirect_dma source(%dma_start3A_20 : memref<20000x64xbf16, #tpu.memory_space<hbm>>) target(%arg11 : memref<80x64xbf16, #tpu.memory_space<vmem>>) offsets(%dma_start3A_17 : memref<80xi32, #tpu.memory_space<vmem>>) semaphore(%arg20 : memref<!tpu.dma_semaphore, #tpu.memory_space<semaphore_mem>>)
    %dma_start3A_21 = arith.constant 3 : i32
    %dma_start3A_22 = arith.constant 0 : i32
    %dma_start3A_23 = tpu.memref_slice %arg7[%dma_start3A_21, %dma_start3A_22] : memref<250x80xi32, #tpu.memory_space<vmem>> -> memref<1x80xi32, #tpu.memory_space<vmem>>
    %dma_start3A_24 = tpu.memref_squeeze %dma_start3A_23 : memref<1x80xi32, #tpu.memory_space<vmem>> -> memref<80xi32, #tpu.memory_space<vmem>>
    %dma_start3A_25 = arith.constant 0 : i32
    %dma_start3A_26 = arith.constant 0 : i32
    %dma_start3A_27 = tpu.memref_slice %arg2[%dma_start3A_25, %dma_start3A_26] : memref<20000x64xbf16, #tpu.memory_space<hbm>> -> memref<20000x64xbf16, #tpu.memory_space<hbm>>
    tpu.enqueue_indirect_dma source(%dma_start3A_27 : memref<20000x64xbf16, #tpu.memory_space<hbm>>) target(%arg12 : memref<80x64xbf16, #tpu.memory_space<vmem>>) offsets(%dma_start3A_24 : memref<80xi32, #tpu.memory_space<vmem>>) semaphore(%arg21 : memref<!tpu.dma_semaphore, #tpu.memory_space<semaphore_mem>>)
    %dma_start3A_28 = arith.constant 4 : i32
    %dma_start3A_29 = arith.constant 0 : i32
    %dma_start3A_30 = tpu.memref_slice %arg7[%dma_start3A_28, %dma_start3A_29] : memref<250x80xi32, #tpu.memory_space<vmem>> -> memref<1x80xi32, #tpu.memory_space<vmem>>
    %dma_start3A_31 = tpu.memref_squeeze %dma_start3A_30 : memref<1x80xi32, #tpu.memory_space<vmem>> -> memref<80xi32, #tpu.memory_space<vmem>>
    %dma_start3A_32 = arith.constant 0 : i32
    %dma_start3A_33 = arith.constant 0 : i32
    %dma_start3A_34 = tpu.memref_slice %arg2[%dma_start3A_32, %dma_start3A_33] : memref<20000x64xbf16, #tpu.memory_space<hbm>> -> memref<20000x64xbf16, #tpu.memory_space<hbm>>
    tpu.enqueue_indirect_dma source(%dma_start3A_34 : memref<20000x64xbf16, #tpu.memory_space<hbm>>) target(%arg13 : memref<80x64xbf16, #tpu.memory_space<vmem>>) offsets(%dma_start3A_31 : memref<80xi32, #tpu.memory_space<vmem>>) semaphore(%arg22 : memref<!tpu.dma_semaphore, #tpu.memory_space<semaphore_mem>>)
    %dma_start3A_35 = arith.constant 5 : i32
    %dma_start3A_36 = arith.constant 0 : i32
    %dma_start3A_37 = tpu.memref_slice %arg7[%dma_start3A_35, %dma_start3A_36] : memref<250x80xi32, #tpu.memory_space<vmem>> -> memref<1x80xi32, #tpu.memory_space<vmem>>
    %dma_start3A_38 = tpu.memref_squeeze %dma_start3A_37 : memref<1x80xi32, #tpu.memory_space<vmem>> -> memref<80xi32, #tpu.memory_space<vmem>>
    %dma_start3A_39 = arith.constant 0 : i32
    %dma_start3A_40 = arith.constant 0 : i32
    %dma_start3A_41 = tpu.memref_slice %arg2[%dma_start3A_39, %dma_start3A_40] : memref<20000x64xbf16, #tpu.memory_space<hbm>> -> memref<20000x64xbf16, #tpu.memory_space<hbm>>
    tpu.enqueue_indirect_dma source(%dma_start3A_41 : memref<20000x64xbf16, #tpu.memory_space<hbm>>) target(%arg14 : memref<80x64xbf16, #tpu.memory_space<vmem>>) offsets(%dma_start3A_38 : memref<80xi32, #tpu.memory_space<vmem>>) semaphore(%arg23 : memref<!tpu.dma_semaphore, #tpu.memory_space<semaphore_mem>>)
    %dma_start3A_42 = arith.constant 6 : i32
    %dma_start3A_43 = arith.constant 0 : i32
    %dma_start3A_44 = tpu.memref_slice %arg7[%dma_start3A_42, %dma_start3A_43] : memref<250x80xi32, #tpu.memory_space<vmem>> -> memref<1x80xi32, #tpu.memory_space<vmem>>
    %dma_start3A_45 = tpu.memref_squeeze %dma_start3A_44 : memref<1x80xi32, #tpu.memory_space<vmem>> -> memref<80xi32, #tpu.memory_space<vmem>>
    %dma_start3A_46 = arith.constant 0 : i32
    %dma_start3A_47 = arith.constant 0 : i32
    %dma_start3A_48 = tpu.memref_slice %arg2[%dma_start3A_46, %dma_start3A_47] : memref<20000x64xbf16, #tpu.memory_space<hbm>> -> memref<20000x64xbf16, #tpu.memory_space<hbm>>
    tpu.enqueue_indirect_dma source(%dma_start3A_48 : memref<20000x64xbf16, #tpu.memory_space<hbm>>) target(%arg15 : memref<80x64xbf16, #tpu.memory_space<vmem>>) offsets(%dma_start3A_45 : memref<80xi32, #tpu.memory_space<vmem>>) semaphore(%arg24 : memref<!tpu.dma_semaphore, #tpu.memory_space<semaphore_mem>>)
    %dma_start3A_49 = arith.constant 7 : i32
    %dma_start3A_50 = arith.constant 0 : i32
    %dma_start3A_51 = tpu.memref_slice %arg7[%dma_start3A_49, %dma_start3A_50] : memref<250x80xi32, #tpu.memory_space<vmem>> -> memref<1x80xi32, #tpu.memory_space<vmem>>
    %dma_start3A_52 = tpu.memref_squeeze %dma_start3A_51 : memref<1x80xi32, #tpu.memory_space<vmem>> -> memref<80xi32, #tpu.memory_space<vmem>>
    %dma_start3A_53 = arith.constant 0 : i32
    %dma_start3A_54 = arith.constant 0 : i32
    %dma_start3A_55 = tpu.memref_slice %arg2[%dma_start3A_53, %dma_start3A_54] : memref<20000x64xbf16, #tpu.memory_space<hbm>> -> memref<20000x64xbf16, #tpu.memory_space<hbm>>
    tpu.enqueue_indirect_dma source(%dma_start3A_55 : memref<20000x64xbf16, #tpu.memory_space<hbm>>) target(%arg16 : memref<80x64xbf16, #tpu.memory_space<vmem>>) offsets(%dma_start3A_52 : memref<80xi32, #tpu.memory_space<vmem>>) semaphore(%arg25 : memref<!tpu.dma_semaphore, #tpu.memory_space<semaphore_mem>>)
    %mul3A_56 = arith.constant 632 : i32
    %mul3A_57 = arith.muli %arg1, %mul3A_56 : i32
    "tpu.region"() ({
      %run_scoped3A_83 = tpu.sem_alloc : memref<!tpu.dma_semaphore, #tpu.memory_space<semaphore_mem>>
      %dma_start3A_84 = arith.constant 0 : i32
      %dma_start3A_85 = tpu.memref_slice %arg17[%mul3A_57, %dma_start3A_84] : memref<10112x64xbf16, #tpu.memory_space<vmem_shared>> -> memref<632x64xbf16, #tpu.memory_space<vmem_shared>>
      tpu.enqueue_dma source(%arg5 : memref<632x64xbf16, #tpu.memory_space<hbm>>) target(%dma_start3A_85 : memref<632x64xbf16, #tpu.memory_space<vmem_shared>>) target_semaphore(%run_scoped3A_83 : memref<!tpu.dma_semaphore, #tpu.memory_space<semaphore_mem>>)
      %dma_wait3A_86 = arith.constant 0 : i32
      %dma_wait3A_87 = tpu.memref_slice %arg17[%mul3A_57, %dma_wait3A_86] : memref<10112x64xbf16, #tpu.memory_space<vmem_shared>> -> memref<632x64xbf16, #tpu.memory_space<vmem_shared>>
      tpu.wait_dma2 semaphore(%run_scoped3A_83 : memref<!tpu.dma_semaphore, #tpu.memory_space<semaphore_mem>>) src(%arg5 : memref<632x64xbf16, #tpu.memory_space<hbm>>) dst(%dma_wait3A_87 : memref<632x64xbf16, #tpu.memory_space<vmem_shared>>)
      tpu.yield
    }) : () -> ()
    %barrier3A = arith.constant 0 : index
    tpu.barrier barrier_id(%barrier3A)
    %scan3A = arith.constant 0 : i32
    %scan3A_58 = arith.constant 0 : i32
    %scan3A_59 = arith.constant 31 : i32
    %scan3A_60 = arith.addi %scan3A_58, %scan3A_59 : i32
    %scan3A_61 = arith.constant 1 : i32
    scf.for %scan3A_83 = %scan3A_58 to %scan3A_60 step %scan3A_61  : i32 {
      %mul3A_84 = arith.constant 8 : i32
      %mul3A_85 = arith.muli %scan3A_83, %mul3A_84 : i32
      %add3A_86 = arith.constant 0 : i32
      %add3A_87 = arith.addi %mul3A_85, %add3A_86 : i32
      %dma_wait3A_88 = arith.constant 0 : i32
      %dma_wait3A_89 = arith.constant 0 : i32
      %dma_wait3A_90 = tpu.memref_slice %arg2[%dma_wait3A_88, %dma_wait3A_89] : memref<20000x64xbf16, #tpu.memory_space<hbm>> -> memref<80x64xbf16, #tpu.memory_space<hbm>>
      %dma_wait3A_91 = arith.constant 0 : i32
      %dma_wait3A_92 = arith.constant 0 : i32
      %dma_wait3A_93 = tpu.memref_slice %arg2[%dma_wait3A_91, %dma_wait3A_92] : memref<20000x64xbf16, #tpu.memory_space<hbm>> -> memref<80x64xbf16, #tpu.memory_space<hbm>>
      tpu.wait_dma2 semaphore(%arg18 : memref<!tpu.dma_semaphore, #tpu.memory_space<semaphore_mem>>) src(%dma_wait3A_93 : memref<80x64xbf16, #tpu.memory_space<hbm>>) dst(%arg9 : memref<80x64xbf16, #tpu.memory_space<vmem>>)
      "tpu.region"() ({
        %run_scoped3A_217 = tpu.sem_alloc : memref<!tpu.dma_semaphore, #tpu.memory_space<semaphore_mem>>
        %dma_start3A_218 = arith.constant 0 : i32
        %dma_start3A_219 = tpu.memref_slice %arg8[%add3A_87, %dma_start3A_218] : memref<250x80xi32, #tpu.memory_space<vmem>> -> memref<1x80xi32, #tpu.memory_space<vmem>>
        %dma_start3A_220 = tpu.memref_squeeze %dma_start3A_219 : memref<1x80xi32, #tpu.memory_space<vmem>> -> memref<80xi32, #tpu.memory_space<vmem>>
        %dma_start3A_221 = arith.constant 0 : i32
        %dma_start3A_222 = arith.constant 0 : i32
        %dma_start3A_223 = tpu.memref_slice %arg17[%dma_start3A_221, %dma_start3A_222] : memref<10112x64xbf16, #tpu.memory_space<vmem_shared>> -> memref<10112x64xbf16, #tpu.memory_space<vmem_shared>>
        tpu.enqueue_indirect_dma source(%arg9 : memref<80x64xbf16, #tpu.memory_space<vmem>>) target(%dma_start3A_223 : memref<10112x64xbf16, #tpu.memory_space<vmem_shared>>) offsets(%dma_start3A_220 : memref<80xi32, #tpu.memory_space<vmem>>) semaphore(%run_scoped3A_217 : memref<!tpu.dma_semaphore, #tpu.memory_space<semaphore_mem>>) {add = true}
        %dma_wait3A_224 = arith.constant 0 : i32
        %dma_wait3A_225 = tpu.memref_slice %arg8[%add3A_87, %dma_wait3A_224] : memref<250x80xi32, #tpu.memory_space<vmem>> -> memref<1x80xi32, #tpu.memory_space<vmem>>
        %dma_wait3A_226 = tpu.memref_squeeze %dma_wait3A_225 : memref<1x80xi32, #tpu.memory_space<vmem>> -> memref<80xi32, #tpu.memory_space<vmem>>
        %dma_wait3A_227 = arith.constant 0 : i32
        %dma_wait3A_228 = arith.constant 0 : i32
        %dma_wait3A_229 = tpu.memref_slice %arg17[%dma_wait3A_227, %dma_wait3A_228] : memref<10112x64xbf16, #tpu.memory_space<vmem_shared>> -> memref<10112x64xbf16, #tpu.memory_space<vmem_shared>>
        tpu.wait_indirect_dma semaphore(%run_scoped3A_217 : memref<!tpu.dma_semaphore, #tpu.memory_space<semaphore_mem>>) src(%arg9 : memref<80x64xbf16, #tpu.memory_space<vmem>>) dst(%dma_wait3A_229 : memref<10112x64xbf16, #tpu.memory_space<vmem_shared>>)
        tpu.yield
      }) : () -> ()
      %add3A_94 = arith.constant 8 : i32
      %add3A_95 = arith.addi %add3A_87, %add3A_94 : i32
      %lt3A = arith.constant 250 : i32
      %lt3A_96 = arith.cmpi slt, %add3A_95, %lt3A : i32
      %convert_element_type3A = arith.extui %lt3A_96 : i1 to i32
      %cond3A = arith.constant 0 : i32
      %cond3A_97 = arith.cmpi ne, %convert_element_type3A, %cond3A : i32
      scf.if %cond3A_97 {
        %add3A_217 = arith.constant 8 : i32
        %add3A_218 = arith.addi %add3A_87, %add3A_217 : i32
        %dma_start3A_219 = arith.constant 0 : i32
        %dma_start3A_220 = tpu.memref_slice %arg7[%add3A_218, %dma_start3A_219] : memref<250x80xi32, #tpu.memory_space<vmem>> -> memref<1x80xi32, #tpu.memory_space<vmem>>
        %dma_start3A_221 = tpu.memref_squeeze %dma_start3A_220 : memref<1x80xi32, #tpu.memory_space<vmem>> -> memref<80xi32, #tpu.memory_space<vmem>>
        %dma_start3A_222 = arith.constant 0 : i32
        %dma_start3A_223 = arith.constant 0 : i32
        %dma_start3A_224 = tpu.memref_slice %arg2[%dma_start3A_222, %dma_start3A_223] : memref<20000x64xbf16, #tpu.memory_space<hbm>> -> memref<20000x64xbf16, #tpu.memory_space<hbm>>
        tpu.enqueue_indirect_dma source(%dma_start3A_224 : memref<20000x64xbf16, #tpu.memory_space<hbm>>) target(%arg9 : memref<80x64xbf16, #tpu.memory_space<vmem>>) offsets(%dma_start3A_221 : memref<80xi32, #tpu.memory_space<vmem>>) semaphore(%arg18 : memref<!tpu.dma_semaphore, #tpu.memory_space<semaphore_mem>>)
      } else {
      }
      %mul3A_98 = arith.constant 8 : i32
      %mul3A_99 = arith.muli %scan3A_83, %mul3A_98 : i32
      %add3A_100 = arith.constant 1 : i32
      %add3A_101 = arith.addi %mul3A_99, %add3A_100 : i32
      %dma_wait3A_102 = arith.constant 0 : i32
      %dma_wait3A_103 = arith.constant 0 : i32
      %dma_wait3A_104 = tpu.memref_slice %arg2[%dma_wait3A_102, %dma_wait3A_103] : memref<20000x64xbf16, #tpu.memory_space<hbm>> -> memref<80x64xbf16, #tpu.memory_space<hbm>>
      %dma_wait3A_105 = arith.constant 0 : i32
      %dma_wait3A_106 = arith.constant 0 : i32
      %dma_wait3A_107 = tpu.memref_slice %arg2[%dma_wait3A_105, %dma_wait3A_106] : memref<20000x64xbf16, #tpu.memory_space<hbm>> -> memref<80x64xbf16, #tpu.memory_space<hbm>>
      tpu.wait_dma2 semaphore(%arg19 : memref<!tpu.dma_semaphore, #tpu.memory_space<semaphore_mem>>) src(%dma_wait3A_107 : memref<80x64xbf16, #tpu.memory_space<hbm>>) dst(%arg10 : memref<80x64xbf16, #tpu.memory_space<vmem>>)
      "tpu.region"() ({
        %run_scoped3A_217 = tpu.sem_alloc : memref<!tpu.dma_semaphore, #tpu.memory_space<semaphore_mem>>
        %dma_start3A_218 = arith.constant 0 : i32
        %dma_start3A_219 = tpu.memref_slice %arg8[%add3A_101, %dma_start3A_218] : memref<250x80xi32, #tpu.memory_space<vmem>> -> memref<1x80xi32, #tpu.memory_space<vmem>>
        %dma_start3A_220 = tpu.memref_squeeze %dma_start3A_219 : memref<1x80xi32, #tpu.memory_space<vmem>> -> memref<80xi32, #tpu.memory_space<vmem>>
        %dma_start3A_221 = arith.constant 0 : i32
        %dma_start3A_222 = arith.constant 0 : i32
        %dma_start3A_223 = tpu.memref_slice %arg17[%dma_start3A_221, %dma_start3A_222] : memref<10112x64xbf16, #tpu.memory_space<vmem_shared>> -> memref<10112x64xbf16, #tpu.memory_space<vmem_shared>>
        tpu.enqueue_indirect_dma source(%arg10 : memref<80x64xbf16, #tpu.memory_space<vmem>>) target(%dma_start3A_223 : memref<10112x64xbf16, #tpu.memory_space<vmem_shared>>) offsets(%dma_start3A_220 : memref<80xi32, #tpu.memory_space<vmem>>) semaphore(%run_scoped3A_217 : memref<!tpu.dma_semaphore, #tpu.memory_space<semaphore_mem>>) {add = true}
        %dma_wait3A_224 = arith.constant 0 : i32
        %dma_wait3A_225 = tpu.memref_slice %arg8[%add3A_101, %dma_wait3A_224] : memref<250x80xi32, #tpu.memory_space<vmem>> -> memref<1x80xi32, #tpu.memory_space<vmem>>
        %dma_wait3A_226 = tpu.memref_squeeze %dma_wait3A_225 : memref<1x80xi32, #tpu.memory_space<vmem>> -> memref<80xi32, #tpu.memory_space<vmem>>
        %dma_wait3A_227 = arith.constant 0 : i32
        %dma_wait3A_228 = arith.constant 0 : i32
        %dma_wait3A_229 = tpu.memref_slice %arg17[%dma_wait3A_227, %dma_wait3A_228] : memref<10112x64xbf16, #tpu.memory_space<vmem_shared>> -> memref<10112x64xbf16, #tpu.memory_space<vmem_shared>>
        tpu.wait_indirect_dma semaphore(%run_scoped3A_217 : memref<!tpu.dma_semaphore, #tpu.memory_space<semaphore_mem>>) src(%arg10 : memref<80x64xbf16, #tpu.memory_space<vmem>>) dst(%dma_wait3A_229 : memref<10112x64xbf16, #tpu.memory_space<vmem_shared>>)
        tpu.yield
      }) : () -> ()
      %add3A_108 = arith.constant 8 : i32
      %add3A_109 = arith.addi %add3A_101, %add3A_108 : i32
      %lt3A_110 = arith.constant 250 : i32
      %lt3A_111 = arith.cmpi slt, %add3A_109, %lt3A_110 : i32
      %convert_element_type3A_112 = arith.extui %lt3A_111 : i1 to i32
      %cond3A_113 = arith.constant 0 : i32
      %cond3A_114 = arith.cmpi ne, %convert_element_type3A_112, %cond3A_113 : i32
      scf.if %cond3A_114 {
        %add3A_217 = arith.constant 8 : i32
        %add3A_218 = arith.addi %add3A_101, %add3A_217 : i32
        %dma_start3A_219 = arith.constant 0 : i32
        %dma_start3A_220 = tpu.memref_slice %arg7[%add3A_218, %dma_start3A_219] : memref<250x80xi32, #tpu.memory_space<vmem>> -> memref<1x80xi32, #tpu.memory_space<vmem>>
        %dma_start3A_221 = tpu.memref_squeeze %dma_start3A_220 : memref<1x80xi32, #tpu.memory_space<vmem>> -> memref<80xi32, #tpu.memory_space<vmem>>
        %dma_start3A_222 = arith.constant 0 : i32
        %dma_start3A_223 = arith.constant 0 : i32
        %dma_start3A_224 = tpu.memref_slice %arg2[%dma_start3A_222, %dma_start3A_223] : memref<20000x64xbf16, #tpu.memory_space<hbm>> -> memref<20000x64xbf16, #tpu.memory_space<hbm>>
        tpu.enqueue_indirect_dma source(%dma_start3A_224 : memref<20000x64xbf16, #tpu.memory_space<hbm>>) target(%arg10 : memref<80x64xbf16, #tpu.memory_space<vmem>>) offsets(%dma_start3A_221 : memref<80xi32, #tpu.memory_space<vmem>>) semaphore(%arg19 : memref<!tpu.dma_semaphore, #tpu.memory_space<semaphore_mem>>)
      } else {
      }
      %mul3A_115 = arith.constant 8 : i32
      %mul3A_116 = arith.muli %scan3A_83, %mul3A_115 : i32
      %add3A_117 = arith.constant 2 : i32
      %add3A_118 = arith.addi %mul3A_116, %add3A_117 : i32
      %dma_wait3A_119 = arith.constant 0 : i32
      %dma_wait3A_120 = arith.constant 0 : i32
      %dma_wait3A_121 = tpu.memref_slice %arg2[%dma_wait3A_119, %dma_wait3A_120] : memref<20000x64xbf16, #tpu.memory_space<hbm>> -> memref<80x64xbf16, #tpu.memory_space<hbm>>
      %dma_wait3A_122 = arith.constant 0 : i32
      %dma_wait3A_123 = arith.constant 0 : i32
      %dma_wait3A_124 = tpu.memref_slice %arg2[%dma_wait3A_122, %dma_wait3A_123] : memref<20000x64xbf16, #tpu.memory_space<hbm>> -> memref<80x64xbf16, #tpu.memory_space<hbm>>
      tpu.wait_dma2 semaphore(%arg20 : memref<!tpu.dma_semaphore, #tpu.memory_space<semaphore_mem>>) src(%dma_wait3A_124 : memref<80x64xbf16, #tpu.memory_space<hbm>>) dst(%arg11 : memref<80x64xbf16, #tpu.memory_space<vmem>>)
      "tpu.region"() ({
        %run_scoped3A_217 = tpu.sem_alloc : memref<!tpu.dma_semaphore, #tpu.memory_space<semaphore_mem>>
        %dma_start3A_218 = arith.constant 0 : i32
        %dma_start3A_219 = tpu.memref_slice %arg8[%add3A_118, %dma_start3A_218] : memref<250x80xi32, #tpu.memory_space<vmem>> -> memref<1x80xi32, #tpu.memory_space<vmem>>
        %dma_start3A_220 = tpu.memref_squeeze %dma_start3A_219 : memref<1x80xi32, #tpu.memory_space<vmem>> -> memref<80xi32, #tpu.memory_space<vmem>>
        %dma_start3A_221 = arith.constant 0 : i32
        %dma_start3A_222 = arith.constant 0 : i32
        %dma_start3A_223 = tpu.memref_slice %arg17[%dma_start3A_221, %dma_start3A_222] : memref<10112x64xbf16, #tpu.memory_space<vmem_shared>> -> memref<10112x64xbf16, #tpu.memory_space<vmem_shared>>
        tpu.enqueue_indirect_dma source(%arg11 : memref<80x64xbf16, #tpu.memory_space<vmem>>) target(%dma_start3A_223 : memref<10112x64xbf16, #tpu.memory_space<vmem_shared>>) offsets(%dma_start3A_220 : memref<80xi32, #tpu.memory_space<vmem>>) semaphore(%run_scoped3A_217 : memref<!tpu.dma_semaphore, #tpu.memory_space<semaphore_mem>>) {add = true}
        %dma_wait3A_224 = arith.constant 0 : i32
        %dma_wait3A_225 = tpu.memref_slice %arg8[%add3A_118, %dma_wait3A_224] : memref<250x80xi32, #tpu.memory_space<vmem>> -> memref<1x80xi32, #tpu.memory_space<vmem>>
        %dma_wait3A_226 = tpu.memref_squeeze %dma_wait3A_225 : memref<1x80xi32, #tpu.memory_space<vmem>> -> memref<80xi32, #tpu.memory_space<vmem>>
        %dma_wait3A_227 = arith.constant 0 : i32
        %dma_wait3A_228 = arith.constant 0 : i32
        %dma_wait3A_229 = tpu.memref_slice %arg17[%dma_wait3A_227, %dma_wait3A_228] : memref<10112x64xbf16, #tpu.memory_space<vmem_shared>> -> memref<10112x64xbf16, #tpu.memory_space<vmem_shared>>
        tpu.wait_indirect_dma semaphore(%run_scoped3A_217 : memref<!tpu.dma_semaphore, #tpu.memory_space<semaphore_mem>>) src(%arg11 : memref<80x64xbf16, #tpu.memory_space<vmem>>) dst(%dma_wait3A_229 : memref<10112x64xbf16, #tpu.memory_space<vmem_shared>>)
        tpu.yield
      }) : () -> ()
      %add3A_125 = arith.constant 8 : i32
      %add3A_126 = arith.addi %add3A_118, %add3A_125 : i32
      %lt3A_127 = arith.constant 250 : i32
      %lt3A_128 = arith.cmpi slt, %add3A_126, %lt3A_127 : i32
      %convert_element_type3A_129 = arith.extui %lt3A_128 : i1 to i32
      %cond3A_130 = arith.constant 0 : i32
      %cond3A_131 = arith.cmpi ne, %convert_element_type3A_129, %cond3A_130 : i32
      scf.if %cond3A_131 {
        %add3A_217 = arith.constant 8 : i32
        %add3A_218 = arith.addi %add3A_118, %add3A_217 : i32
        %dma_start3A_219 = arith.constant 0 : i32
        %dma_start3A_220 = tpu.memref_slice %arg7[%add3A_218, %dma_start3A_219] : memref<250x80xi32, #tpu.memory_space<vmem>> -> memref<1x80xi32, #tpu.memory_space<vmem>>
        %dma_start3A_221 = tpu.memref_squeeze %dma_start3A_220 : memref<1x80xi32, #tpu.memory_space<vmem>> -> memref<80xi32, #tpu.memory_space<vmem>>
        %dma_start3A_222 = arith.constant 0 : i32
        %dma_start3A_223 = arith.constant 0 : i32
        %dma_start3A_224 = tpu.memref_slice %arg2[%dma_start3A_222, %dma_start3A_223] : memref<20000x64xbf16, #tpu.memory_space<hbm>> -> memref<20000x64xbf16, #tpu.memory_space<hbm>>
        tpu.enqueue_indirect_dma source(%dma_start3A_224 : memref<20000x64xbf16, #tpu.memory_space<hbm>>) target(%arg11 : memref<80x64xbf16, #tpu.memory_space<vmem>>) offsets(%dma_start3A_221 : memref<80xi32, #tpu.memory_space<vmem>>) semaphore(%arg20 : memref<!tpu.dma_semaphore, #tpu.memory_space<semaphore_mem>>)
      } else {
      }
      %mul3A_132 = arith.constant 8 : i32
      %mul3A_133 = arith.muli %scan3A_83, %mul3A_132 : i32
      %add3A_134 = arith.constant 3 : i32
      %add3A_135 = arith.addi %mul3A_133, %add3A_134 : i32
      %dma_wait3A_136 = arith.constant 0 : i32
      %dma_wait3A_137 = arith.constant 0 : i32
      %dma_wait3A_138 = tpu.memref_slice %arg2[%dma_wait3A_136, %dma_wait3A_137] : memref<20000x64xbf16, #tpu.memory_space<hbm>> -> memref<80x64xbf16, #tpu.memory_space<hbm>>
      %dma_wait3A_139 = arith.constant 0 : i32
      %dma_wait3A_140 = arith.constant 0 : i32
      %dma_wait3A_141 = tpu.memref_slice %arg2[%dma_wait3A_139, %dma_wait3A_140] : memref<20000x64xbf16, #tpu.memory_space<hbm>> -> memref<80x64xbf16, #tpu.memory_space<hbm>>
      tpu.wait_dma2 semaphore(%arg21 : memref<!tpu.dma_semaphore, #tpu.memory_space<semaphore_mem>>) src(%dma_wait3A_141 : memref<80x64xbf16, #tpu.memory_space<hbm>>) dst(%arg12 : memref<80x64xbf16, #tpu.memory_space<vmem>>)
      "tpu.region"() ({
        %run_scoped3A_217 = tpu.sem_alloc : memref<!tpu.dma_semaphore, #tpu.memory_space<semaphore_mem>>
        %dma_start3A_218 = arith.constant 0 : i32
        %dma_start3A_219 = tpu.memref_slice %arg8[%add3A_135, %dma_start3A_218] : memref<250x80xi32, #tpu.memory_space<vmem>> -> memref<1x80xi32, #tpu.memory_space<vmem>>
        %dma_start3A_220 = tpu.memref_squeeze %dma_start3A_219 : memref<1x80xi32, #tpu.memory_space<vmem>> -> memref<80xi32, #tpu.memory_space<vmem>>
        %dma_start3A_221 = arith.constant 0 : i32
        %dma_start3A_222 = arith.constant 0 : i32
        %dma_start3A_223 = tpu.memref_slice %arg17[%dma_start3A_221, %dma_start3A_222] : memref<10112x64xbf16, #tpu.memory_space<vmem_shared>> -> memref<10112x64xbf16, #tpu.memory_space<vmem_shared>>
        tpu.enqueue_indirect_dma source(%arg12 : memref<80x64xbf16, #tpu.memory_space<vmem>>) target(%dma_start3A_223 : memref<10112x64xbf16, #tpu.memory_space<vmem_shared>>) offsets(%dma_start3A_220 : memref<80xi32, #tpu.memory_space<vmem>>) semaphore(%run_scoped3A_217 : memref<!tpu.dma_semaphore, #tpu.memory_space<semaphore_mem>>) {add = true}
        %dma_wait3A_224 = arith.constant 0 : i32
        %dma_wait3A_225 = tpu.memref_slice %arg8[%add3A_135, %dma_wait3A_224] : memref<250x80xi32, #tpu.memory_space<vmem>> -> memref<1x80xi32, #tpu.memory_space<vmem>>
        %dma_wait3A_226 = tpu.memref_squeeze %dma_wait3A_225 : memref<1x80xi32, #tpu.memory_space<vmem>> -> memref<80xi32, #tpu.memory_space<vmem>>
        %dma_wait3A_227 = arith.constant 0 : i32
        %dma_wait3A_228 = arith.constant 0 : i32
        %dma_wait3A_229 = tpu.memref_slice %arg17[%dma_wait3A_227, %dma_wait3A_228] : memref<10112x64xbf16, #tpu.memory_space<vmem_shared>> -> memref<10112x64xbf16, #tpu.memory_space<vmem_shared>>
        tpu.wait_indirect_dma semaphore(%run_scoped3A_217 : memref<!tpu.dma_semaphore, #tpu.memory_space<semaphore_mem>>) src(%arg12 : memref<80x64xbf16, #tpu.memory_space<vmem>>) dst(%dma_wait3A_229 : memref<10112x64xbf16, #tpu.memory_space<vmem_shared>>)
        tpu.yield
      }) : () -> ()
      %add3A_142 = arith.constant 8 : i32
      %add3A_143 = arith.addi %add3A_135, %add3A_142 : i32
      %lt3A_144 = arith.constant 250 : i32
      %lt3A_145 = arith.cmpi slt, %add3A_143, %lt3A_144 : i32
      %convert_element_type3A_146 = arith.extui %lt3A_145 : i1 to i32
      %cond3A_147 = arith.constant 0 : i32
      %cond3A_148 = arith.cmpi ne, %convert_element_type3A_146, %cond3A_147 : i32
      scf.if %cond3A_148 {
        %add3A_217 = arith.constant 8 : i32
        %add3A_218 = arith.addi %add3A_135, %add3A_217 : i32
        %dma_start3A_219 = arith.constant 0 : i32
        %dma_start3A_220 = tpu.memref_slice %arg7[%add3A_218, %dma_start3A_219] : memref<250x80xi32, #tpu.memory_space<vmem>> -> memref<1x80xi32, #tpu.memory_space<vmem>>
        %dma_start3A_221 = tpu.memref_squeeze %dma_start3A_220 : memref<1x80xi32, #tpu.memory_space<vmem>> -> memref<80xi32, #tpu.memory_space<vmem>>
        %dma_start3A_222 = arith.constant 0 : i32
        %dma_start3A_223 = arith.constant 0 : i32
        %dma_start3A_224 = tpu.memref_slice %arg2[%dma_start3A_222, %dma_start3A_223] : memref<20000x64xbf16, #tpu.memory_space<hbm>> -> memref<20000x64xbf16, #tpu.memory_space<hbm>>
        tpu.enqueue_indirect_dma source(%dma_start3A_224 : memref<20000x64xbf16, #tpu.memory_space<hbm>>) target(%arg12 : memref<80x64xbf16, #tpu.memory_space<vmem>>) offsets(%dma_start3A_221 : memref<80xi32, #tpu.memory_space<vmem>>) semaphore(%arg21 : memref<!tpu.dma_semaphore, #tpu.memory_space<semaphore_mem>>)
      } else {
      }
      %mul3A_149 = arith.constant 8 : i32
      %mul3A_150 = arith.muli %scan3A_83, %mul3A_149 : i32
      %add3A_151 = arith.constant 4 : i32
      %add3A_152 = arith.addi %mul3A_150, %add3A_151 : i32
      %dma_wait3A_153 = arith.constant 0 : i32
      %dma_wait3A_154 = arith.constant 0 : i32
      %dma_wait3A_155 = tpu.memref_slice %arg2[%dma_wait3A_153, %dma_wait3A_154] : memref<20000x64xbf16, #tpu.memory_space<hbm>> -> memref<80x64xbf16, #tpu.memory_space<hbm>>
      %dma_wait3A_156 = arith.constant 0 : i32
      %dma_wait3A_157 = arith.constant 0 : i32
      %dma_wait3A_158 = tpu.memref_slice %arg2[%dma_wait3A_156, %dma_wait3A_157] : memref<20000x64xbf16, #tpu.memory_space<hbm>> -> memref<80x64xbf16, #tpu.memory_space<hbm>>
      tpu.wait_dma2 semaphore(%arg22 : memref<!tpu.dma_semaphore, #tpu.memory_space<semaphore_mem>>) src(%dma_wait3A_158 : memref<80x64xbf16, #tpu.memory_space<hbm>>) dst(%arg13 : memref<80x64xbf16, #tpu.memory_space<vmem>>)
      "tpu.region"() ({
        %run_scoped3A_217 = tpu.sem_alloc : memref<!tpu.dma_semaphore, #tpu.memory_space<semaphore_mem>>
        %dma_start3A_218 = arith.constant 0 : i32
        %dma_start3A_219 = tpu.memref_slice %arg8[%add3A_152, %dma_start3A_218] : memref<250x80xi32, #tpu.memory_space<vmem>> -> memref<1x80xi32, #tpu.memory_space<vmem>>
        %dma_start3A_220 = tpu.memref_squeeze %dma_start3A_219 : memref<1x80xi32, #tpu.memory_space<vmem>> -> memref<80xi32, #tpu.memory_space<vmem>>
        %dma_start3A_221 = arith.constant 0 : i32
        %dma_start3A_222 = arith.constant 0 : i32
        %dma_start3A_223 = tpu.memref_slice %arg17[%dma_start3A_221, %dma_start3A_222] : memref<10112x64xbf16, #tpu.memory_space<vmem_shared>> -> memref<10112x64xbf16, #tpu.memory_space<vmem_shared>>
        tpu.enqueue_indirect_dma source(%arg13 : memref<80x64xbf16, #tpu.memory_space<vmem>>) target(%dma_start3A_223 : memref<10112x64xbf16, #tpu.memory_space<vmem_shared>>) offsets(%dma_start3A_220 : memref<80xi32, #tpu.memory_space<vmem>>) semaphore(%run_scoped3A_217 : memref<!tpu.dma_semaphore, #tpu.memory_space<semaphore_mem>>) {add = true}
        %dma_wait3A_224 = arith.constant 0 : i32
        %dma_wait3A_225 = tpu.memref_slice %arg8[%add3A_152, %dma_wait3A_224] : memref<250x80xi32, #tpu.memory_space<vmem>> -> memref<1x80xi32, #tpu.memory_space<vmem>>
        %dma_wait3A_226 = tpu.memref_squeeze %dma_wait3A_225 : memref<1x80xi32, #tpu.memory_space<vmem>> -> memref<80xi32, #tpu.memory_space<vmem>>
        %dma_wait3A_227 = arith.constant 0 : i32
        %dma_wait3A_228 = arith.constant 0 : i32
        %dma_wait3A_229 = tpu.memref_slice %arg17[%dma_wait3A_227, %dma_wait3A_228] : memref<10112x64xbf16, #tpu.memory_space<vmem_shared>> -> memref<10112x64xbf16, #tpu.memory_space<vmem_shared>>
        tpu.wait_indirect_dma semaphore(%run_scoped3A_217 : memref<!tpu.dma_semaphore, #tpu.memory_space<semaphore_mem>>) src(%arg13 : memref<80x64xbf16, #tpu.memory_space<vmem>>) dst(%dma_wait3A_229 : memref<10112x64xbf16, #tpu.memory_space<vmem_shared>>)
        tpu.yield
      }) : () -> ()
      %add3A_159 = arith.constant 8 : i32
      %add3A_160 = arith.addi %add3A_152, %add3A_159 : i32
      %lt3A_161 = arith.constant 250 : i32
      %lt3A_162 = arith.cmpi slt, %add3A_160, %lt3A_161 : i32
      %convert_element_type3A_163 = arith.extui %lt3A_162 : i1 to i32
      %cond3A_164 = arith.constant 0 : i32
      %cond3A_165 = arith.cmpi ne, %convert_element_type3A_163, %cond3A_164 : i32
      scf.if %cond3A_165 {
        %add3A_217 = arith.constant 8 : i32
        %add3A_218 = arith.addi %add3A_152, %add3A_217 : i32
        %dma_start3A_219 = arith.constant 0 : i32
        %dma_start3A_220 = tpu.memref_slice %arg7[%add3A_218, %dma_start3A_219] : memref<250x80xi32, #tpu.memory_space<vmem>> -> memref<1x80xi32, #tpu.memory_space<vmem>>
        %dma_start3A_221 = tpu.memref_squeeze %dma_start3A_220 : memref<1x80xi32, #tpu.memory_space<vmem>> -> memref<80xi32, #tpu.memory_space<vmem>>
        %dma_start3A_222 = arith.constant 0 : i32
        %dma_start3A_223 = arith.constant 0 : i32
        %dma_start3A_224 = tpu.memref_slice %arg2[%dma_start3A_222, %dma_start3A_223] : memref<20000x64xbf16, #tpu.memory_space<hbm>> -> memref<20000x64xbf16, #tpu.memory_space<hbm>>
        tpu.enqueue_indirect_dma source(%dma_start3A_224 : memref<20000x64xbf16, #tpu.memory_space<hbm>>) target(%arg13 : memref<80x64xbf16, #tpu.memory_space<vmem>>) offsets(%dma_start3A_221 : memref<80xi32, #tpu.memory_space<vmem>>) semaphore(%arg22 : memref<!tpu.dma_semaphore, #tpu.memory_space<semaphore_mem>>)
      } else {
      }
      %mul3A_166 = arith.constant 8 : i32
      %mul3A_167 = arith.muli %scan3A_83, %mul3A_166 : i32
      %add3A_168 = arith.constant 5 : i32
      %add3A_169 = arith.addi %mul3A_167, %add3A_168 : i32
      %dma_wait3A_170 = arith.constant 0 : i32
      %dma_wait3A_171 = arith.constant 0 : i32
      %dma_wait3A_172 = tpu.memref_slice %arg2[%dma_wait3A_170, %dma_wait3A_171] : memref<20000x64xbf16, #tpu.memory_space<hbm>> -> memref<80x64xbf16, #tpu.memory_space<hbm>>
      %dma_wait3A_173 = arith.constant 0 : i32
      %dma_wait3A_174 = arith.constant 0 : i32
      %dma_wait3A_175 = tpu.memref_slice %arg2[%dma_wait3A_173, %dma_wait3A_174] : memref<20000x64xbf16, #tpu.memory_space<hbm>> -> memref<80x64xbf16, #tpu.memory_space<hbm>>
      tpu.wait_dma2 semaphore(%arg23 : memref<!tpu.dma_semaphore, #tpu.memory_space<semaphore_mem>>) src(%dma_wait3A_175 : memref<80x64xbf16, #tpu.memory_space<hbm>>) dst(%arg14 : memref<80x64xbf16, #tpu.memory_space<vmem>>)
      "tpu.region"() ({
        %run_scoped3A_217 = tpu.sem_alloc : memref<!tpu.dma_semaphore, #tpu.memory_space<semaphore_mem>>
        %dma_start3A_218 = arith.constant 0 : i32
        %dma_start3A_219 = tpu.memref_slice %arg8[%add3A_169, %dma_start3A_218] : memref<250x80xi32, #tpu.memory_space<vmem>> -> memref<1x80xi32, #tpu.memory_space<vmem>>
        %dma_start3A_220 = tpu.memref_squeeze %dma_start3A_219 : memref<1x80xi32, #tpu.memory_space<vmem>> -> memref<80xi32, #tpu.memory_space<vmem>>
        %dma_start3A_221 = arith.constant 0 : i32
        %dma_start3A_222 = arith.constant 0 : i32
        %dma_start3A_223 = tpu.memref_slice %arg17[%dma_start3A_221, %dma_start3A_222] : memref<10112x64xbf16, #tpu.memory_space<vmem_shared>> -> memref<10112x64xbf16, #tpu.memory_space<vmem_shared>>
        tpu.enqueue_indirect_dma source(%arg14 : memref<80x64xbf16, #tpu.memory_space<vmem>>) target(%dma_start3A_223 : memref<10112x64xbf16, #tpu.memory_space<vmem_shared>>) offsets(%dma_start3A_220 : memref<80xi32, #tpu.memory_space<vmem>>) semaphore(%run_scoped3A_217 : memref<!tpu.dma_semaphore, #tpu.memory_space<semaphore_mem>>) {add = true}
        %dma_wait3A_224 = arith.constant 0 : i32
        %dma_wait3A_225 = tpu.memref_slice %arg8[%add3A_169, %dma_wait3A_224] : memref<250x80xi32, #tpu.memory_space<vmem>> -> memref<1x80xi32, #tpu.memory_space<vmem>>
        %dma_wait3A_226 = tpu.memref_squeeze %dma_wait3A_225 : memref<1x80xi32, #tpu.memory_space<vmem>> -> memref<80xi32, #tpu.memory_space<vmem>>
        %dma_wait3A_227 = arith.constant 0 : i32
        %dma_wait3A_228 = arith.constant 0 : i32
        %dma_wait3A_229 = tpu.memref_slice %arg17[%dma_wait3A_227, %dma_wait3A_228] : memref<10112x64xbf16, #tpu.memory_space<vmem_shared>> -> memref<10112x64xbf16, #tpu.memory_space<vmem_shared>>
        tpu.wait_indirect_dma semaphore(%run_scoped3A_217 : memref<!tpu.dma_semaphore, #tpu.memory_space<semaphore_mem>>) src(%arg14 : memref<80x64xbf16, #tpu.memory_space<vmem>>) dst(%dma_wait3A_229 : memref<10112x64xbf16, #tpu.memory_space<vmem_shared>>)
        tpu.yield
      }) : () -> ()
      %add3A_176 = arith.constant 8 : i32
      %add3A_177 = arith.addi %add3A_169, %add3A_176 : i32
      %lt3A_178 = arith.constant 250 : i32
      %lt3A_179 = arith.cmpi slt, %add3A_177, %lt3A_178 : i32
      %convert_element_type3A_180 = arith.extui %lt3A_179 : i1 to i32
      %cond3A_181 = arith.constant 0 : i32
      %cond3A_182 = arith.cmpi ne, %convert_element_type3A_180, %cond3A_181 : i32
      scf.if %cond3A_182 {
        %add3A_217 = arith.constant 8 : i32
        %add3A_218 = arith.addi %add3A_169, %add3A_217 : i32
        %dma_start3A_219 = arith.constant 0 : i32
        %dma_start3A_220 = tpu.memref_slice %arg7[%add3A_218, %dma_start3A_219] : memref<250x80xi32, #tpu.memory_space<vmem>> -> memref<1x80xi32, #tpu.memory_space<vmem>>
        %dma_start3A_221 = tpu.memref_squeeze %dma_start3A_220 : memref<1x80xi32, #tpu.memory_space<vmem>> -> memref<80xi32, #tpu.memory_space<vmem>>
        %dma_start3A_222 = arith.constant 0 : i32
        %dma_start3A_223 = arith.constant 0 : i32
        %dma_start3A_224 = tpu.memref_slice %arg2[%dma_start3A_222, %dma_start3A_223] : memref<20000x64xbf16, #tpu.memory_space<hbm>> -> memref<20000x64xbf16, #tpu.memory_space<hbm>>
        tpu.enqueue_indirect_dma source(%dma_start3A_224 : memref<20000x64xbf16, #tpu.memory_space<hbm>>) target(%arg14 : memref<80x64xbf16, #tpu.memory_space<vmem>>) offsets(%dma_start3A_221 : memref<80xi32, #tpu.memory_space<vmem>>) semaphore(%arg23 : memref<!tpu.dma_semaphore, #tpu.memory_space<semaphore_mem>>)
      } else {
      }
      %mul3A_183 = arith.constant 8 : i32
      %mul3A_184 = arith.muli %scan3A_83, %mul3A_183 : i32
      %add3A_185 = arith.constant 6 : i32
      %add3A_186 = arith.addi %mul3A_184, %add3A_185 : i32
      %dma_wait3A_187 = arith.constant 0 : i32
      %dma_wait3A_188 = arith.constant 0 : i32
      %dma_wait3A_189 = tpu.memref_slice %arg2[%dma_wait3A_187, %dma_wait3A_188] : memref<20000x64xbf16, #tpu.memory_space<hbm>> -> memref<80x64xbf16, #tpu.memory_space<hbm>>
      %dma_wait3A_190 = arith.constant 0 : i32
      %dma_wait3A_191 = arith.constant 0 : i32
      %dma_wait3A_192 = tpu.memref_slice %arg2[%dma_wait3A_190, %dma_wait3A_191] : memref<20000x64xbf16, #tpu.memory_space<hbm>> -> memref<80x64xbf16, #tpu.memory_space<hbm>>
      tpu.wait_dma2 semaphore(%arg24 : memref<!tpu.dma_semaphore, #tpu.memory_space<semaphore_mem>>) src(%dma_wait3A_192 : memref<80x64xbf16, #tpu.memory_space<hbm>>) dst(%arg15 : memref<80x64xbf16, #tpu.memory_space<vmem>>)
      "tpu.region"() ({
        %run_scoped3A_217 = tpu.sem_alloc : memref<!tpu.dma_semaphore, #tpu.memory_space<semaphore_mem>>
        %dma_start3A_218 = arith.constant 0 : i32
        %dma_start3A_219 = tpu.memref_slice %arg8[%add3A_186, %dma_start3A_218] : memref<250x80xi32, #tpu.memory_space<vmem>> -> memref<1x80xi32, #tpu.memory_space<vmem>>
        %dma_start3A_220 = tpu.memref_squeeze %dma_start3A_219 : memref<1x80xi32, #tpu.memory_space<vmem>> -> memref<80xi32, #tpu.memory_space<vmem>>
        %dma_start3A_221 = arith.constant 0 : i32
        %dma_start3A_222 = arith.constant 0 : i32
        %dma_start3A_223 = tpu.memref_slice %arg17[%dma_start3A_221, %dma_start3A_222] : memref<10112x64xbf16, #tpu.memory_space<vmem_shared>> -> memref<10112x64xbf16, #tpu.memory_space<vmem_shared>>
        tpu.enqueue_indirect_dma source(%arg15 : memref<80x64xbf16, #tpu.memory_space<vmem>>) target(%dma_start3A_223 : memref<10112x64xbf16, #tpu.memory_space<vmem_shared>>) offsets(%dma_start3A_220 : memref<80xi32, #tpu.memory_space<vmem>>) semaphore(%run_scoped3A_217 : memref<!tpu.dma_semaphore, #tpu.memory_space<semaphore_mem>>) {add = true}
        %dma_wait3A_224 = arith.constant 0 : i32
        %dma_wait3A_225 = tpu.memref_slice %arg8[%add3A_186, %dma_wait3A_224] : memref<250x80xi32, #tpu.memory_space<vmem>> -> memref<1x80xi32, #tpu.memory_space<vmem>>
        %dma_wait3A_226 = tpu.memref_squeeze %dma_wait3A_225 : memref<1x80xi32, #tpu.memory_space<vmem>> -> memref<80xi32, #tpu.memory_space<vmem>>
        %dma_wait3A_227 = arith.constant 0 : i32
        %dma_wait3A_228 = arith.constant 0 : i32
        %dma_wait3A_229 = tpu.memref_slice %arg17[%dma_wait3A_227, %dma_wait3A_228] : memref<10112x64xbf16, #tpu.memory_space<vmem_shared>> -> memref<10112x64xbf16, #tpu.memory_space<vmem_shared>>
        tpu.wait_indirect_dma semaphore(%run_scoped3A_217 : memref<!tpu.dma_semaphore, #tpu.memory_space<semaphore_mem>>) src(%arg15 : memref<80x64xbf16, #tpu.memory_space<vmem>>) dst(%dma_wait3A_229 : memref<10112x64xbf16, #tpu.memory_space<vmem_shared>>)
        tpu.yield
      }) : () -> ()
      %add3A_193 = arith.constant 8 : i32
      %add3A_194 = arith.addi %add3A_186, %add3A_193 : i32
      %lt3A_195 = arith.constant 250 : i32
      %lt3A_196 = arith.cmpi slt, %add3A_194, %lt3A_195 : i32
      %convert_element_type3A_197 = arith.extui %lt3A_196 : i1 to i32
      %cond3A_198 = arith.constant 0 : i32
      %cond3A_199 = arith.cmpi ne, %convert_element_type3A_197, %cond3A_198 : i32
      scf.if %cond3A_199 {
        %add3A_217 = arith.constant 8 : i32
        %add3A_218 = arith.addi %add3A_186, %add3A_217 : i32
        %dma_start3A_219 = arith.constant 0 : i32
        %dma_start3A_220 = tpu.memref_slice %arg7[%add3A_218, %dma_start3A_219] : memref<250x80xi32, #tpu.memory_space<vmem>> -> memref<1x80xi32, #tpu.memory_space<vmem>>
        %dma_start3A_221 = tpu.memref_squeeze %dma_start3A_220 : memref<1x80xi32, #tpu.memory_space<vmem>> -> memref<80xi32, #tpu.memory_space<vmem>>
        %dma_start3A_222 = arith.constant 0 : i32
        %dma_start3A_223 = arith.constant 0 : i32
        %dma_start3A_224 = tpu.memref_slice %arg2[%dma_start3A_222, %dma_start3A_223] : memref<20000x64xbf16, #tpu.memory_space<hbm>> -> memref<20000x64xbf16, #tpu.memory_space<hbm>>
        tpu.enqueue_indirect_dma source(%dma_start3A_224 : memref<20000x64xbf16, #tpu.memory_space<hbm>>) target(%arg15 : memref<80x64xbf16, #tpu.memory_space<vmem>>) offsets(%dma_start3A_221 : memref<80xi32, #tpu.memory_space<vmem>>) semaphore(%arg24 : memref<!tpu.dma_semaphore, #tpu.memory_space<semaphore_mem>>)
      } else {
      }
      %mul3A_200 = arith.constant 8 : i32
      %mul3A_201 = arith.muli %scan3A_83, %mul3A_200 : i32
      %add3A_202 = arith.constant 7 : i32
      %add3A_203 = arith.addi %mul3A_201, %add3A_202 : i32
      %dma_wait3A_204 = arith.constant 0 : i32
      %dma_wait3A_205 = arith.constant 0 : i32
      %dma_wait3A_206 = tpu.memref_slice %arg2[%dma_wait3A_204, %dma_wait3A_205] : memref<20000x64xbf16, #tpu.memory_space<hbm>> -> memref<80x64xbf16, #tpu.memory_space<hbm>>
      %dma_wait3A_207 = arith.constant 0 : i32
      %dma_wait3A_208 = arith.constant 0 : i32
      %dma_wait3A_209 = tpu.memref_slice %arg2[%dma_wait3A_207, %dma_wait3A_208] : memref<20000x64xbf16, #tpu.memory_space<hbm>> -> memref<80x64xbf16, #tpu.memory_space<hbm>>
      tpu.wait_dma2 semaphore(%arg25 : memref<!tpu.dma_semaphore, #tpu.memory_space<semaphore_mem>>) src(%dma_wait3A_209 : memref<80x64xbf16, #tpu.memory_space<hbm>>) dst(%arg16 : memref<80x64xbf16, #tpu.memory_space<vmem>>)
      "tpu.region"() ({
        %run_scoped3A_217 = tpu.sem_alloc : memref<!tpu.dma_semaphore, #tpu.memory_space<semaphore_mem>>
        %dma_start3A_218 = arith.constant 0 : i32
        %dma_start3A_219 = tpu.memref_slice %arg8[%add3A_203, %dma_start3A_218] : memref<250x80xi32, #tpu.memory_space<vmem>> -> memref<1x80xi32, #tpu.memory_space<vmem>>
        %dma_start3A_220 = tpu.memref_squeeze %dma_start3A_219 : memref<1x80xi32, #tpu.memory_space<vmem>> -> memref<80xi32, #tpu.memory_space<vmem>>
        %dma_start3A_221 = arith.constant 0 : i32
        %dma_start3A_222 = arith.constant 0 : i32
        %dma_start3A_223 = tpu.memref_slice %arg17[%dma_start3A_221, %dma_start3A_222] : memref<10112x64xbf16, #tpu.memory_space<vmem_shared>> -> memref<10112x64xbf16, #tpu.memory_space<vmem_shared>>
        tpu.enqueue_indirect_dma source(%arg16 : memref<80x64xbf16, #tpu.memory_space<vmem>>) target(%dma_start3A_223 : memref<10112x64xbf16, #tpu.memory_space<vmem_shared>>) offsets(%dma_start3A_220 : memref<80xi32, #tpu.memory_space<vmem>>) semaphore(%run_scoped3A_217 : memref<!tpu.dma_semaphore, #tpu.memory_space<semaphore_mem>>) {add = true}
        %dma_wait3A_224 = arith.constant 0 : i32
        %dma_wait3A_225 = tpu.memref_slice %arg8[%add3A_203, %dma_wait3A_224] : memref<250x80xi32, #tpu.memory_space<vmem>> -> memref<1x80xi32, #tpu.memory_space<vmem>>
        %dma_wait3A_226 = tpu.memref_squeeze %dma_wait3A_225 : memref<1x80xi32, #tpu.memory_space<vmem>> -> memref<80xi32, #tpu.memory_space<vmem>>
        %dma_wait3A_227 = arith.constant 0 : i32
        %dma_wait3A_228 = arith.constant 0 : i32
        %dma_wait3A_229 = tpu.memref_slice %arg17[%dma_wait3A_227, %dma_wait3A_228] : memref<10112x64xbf16, #tpu.memory_space<vmem_shared>> -> memref<10112x64xbf16, #tpu.memory_space<vmem_shared>>
        tpu.wait_indirect_dma semaphore(%run_scoped3A_217 : memref<!tpu.dma_semaphore, #tpu.memory_space<semaphore_mem>>) src(%arg16 : memref<80x64xbf16, #tpu.memory_space<vmem>>) dst(%dma_wait3A_229 : memref<10112x64xbf16, #tpu.memory_space<vmem_shared>>)
        tpu.yield
      }) : () -> ()
      %add3A_210 = arith.constant 8 : i32
      %add3A_211 = arith.addi %add3A_203, %add3A_210 : i32
      %lt3A_212 = arith.constant 250 : i32
      %lt3A_213 = arith.cmpi slt, %add3A_211, %lt3A_212 : i32
      %convert_element_type3A_214 = arith.extui %lt3A_213 : i1 to i32
      %cond3A_215 = arith.constant 0 : i32
      %cond3A_216 = arith.cmpi ne, %convert_element_type3A_214, %cond3A_215 : i32
      scf.if %cond3A_216 {
        %add3A_217 = arith.constant 8 : i32
        %add3A_218 = arith.addi %add3A_203, %add3A_217 : i32
        %dma_start3A_219 = arith.constant 0 : i32
        %dma_start3A_220 = tpu.memref_slice %arg7[%add3A_218, %dma_start3A_219] : memref<250x80xi32, #tpu.memory_space<vmem>> -> memref<1x80xi32, #tpu.memory_space<vmem>>
        %dma_start3A_221 = tpu.memref_squeeze %dma_start3A_220 : memref<1x80xi32, #tpu.memory_space<vmem>> -> memref<80xi32, #tpu.memory_space<vmem>>
        %dma_start3A_222 = arith.constant 0 : i32
        %dma_start3A_223 = arith.constant 0 : i32
        %dma_start3A_224 = tpu.memref_slice %arg2[%dma_start3A_222, %dma_start3A_223] : memref<20000x64xbf16, #tpu.memory_space<hbm>> -> memref<20000x64xbf16, #tpu.memory_space<hbm>>
        tpu.enqueue_indirect_dma source(%dma_start3A_224 : memref<20000x64xbf16, #tpu.memory_space<hbm>>) target(%arg16 : memref<80x64xbf16, #tpu.memory_space<vmem>>) offsets(%dma_start3A_221 : memref<80xi32, #tpu.memory_space<vmem>>) semaphore(%arg25 : memref<!tpu.dma_semaphore, #tpu.memory_space<semaphore_mem>>)
      } else {
      }
    }
    %scan3A_62 = arith.constant 31 : i32
    %dma_wait3A = arith.constant 0 : i32
    %dma_wait3A_63 = arith.constant 0 : i32
    %dma_wait3A_64 = tpu.memref_slice %arg2[%dma_wait3A, %dma_wait3A_63] : memref<20000x64xbf16, #tpu.memory_space<hbm>> -> memref<80x64xbf16, #tpu.memory_space<hbm>>
    %dma_wait3A_65 = arith.constant 0 : i32
    %dma_wait3A_66 = arith.constant 0 : i32
    %dma_wait3A_67 = tpu.memref_slice %arg2[%dma_wait3A_65, %dma_wait3A_66] : memref<20000x64xbf16, #tpu.memory_space<hbm>> -> memref<80x64xbf16, #tpu.memory_space<hbm>>
    tpu.wait_dma2 semaphore(%arg18 : memref<!tpu.dma_semaphore, #tpu.memory_space<semaphore_mem>>) src(%dma_wait3A_67 : memref<80x64xbf16, #tpu.memory_space<hbm>>) dst(%arg9 : memref<80x64xbf16, #tpu.memory_space<vmem>>)
    %run_scoped3A = arith.constant 248 : i32
    "tpu.region"() ({
      %run_scoped3A_83 = tpu.sem_alloc : memref<!tpu.dma_semaphore, #tpu.memory_space<semaphore_mem>>
      %dma_start3A_84 = arith.constant 0 : i32
      %dma_start3A_85 = tpu.memref_slice %arg8[%run_scoped3A, %dma_start3A_84] : memref<250x80xi32, #tpu.memory_space<vmem>> -> memref<1x80xi32, #tpu.memory_space<vmem>>
      %dma_start3A_86 = tpu.memref_squeeze %dma_start3A_85 : memref<1x80xi32, #tpu.memory_space<vmem>> -> memref<80xi32, #tpu.memory_space<vmem>>
      %dma_start3A_87 = arith.constant 0 : i32
      %dma_start3A_88 = arith.constant 0 : i32
      %dma_start3A_89 = tpu.memref_slice %arg17[%dma_start3A_87, %dma_start3A_88] : memref<10112x64xbf16, #tpu.memory_space<vmem_shared>> -> memref<10112x64xbf16, #tpu.memory_space<vmem_shared>>
      tpu.enqueue_indirect_dma source(%arg9 : memref<80x64xbf16, #tpu.memory_space<vmem>>) target(%dma_start3A_89 : memref<10112x64xbf16, #tpu.memory_space<vmem_shared>>) offsets(%dma_start3A_86 : memref<80xi32, #tpu.memory_space<vmem>>) semaphore(%run_scoped3A_83 : memref<!tpu.dma_semaphore, #tpu.memory_space<semaphore_mem>>) {add = true}
      %dma_wait3A_90 = arith.constant 0 : i32
      %dma_wait3A_91 = tpu.memref_slice %arg8[%run_scoped3A, %dma_wait3A_90] : memref<250x80xi32, #tpu.memory_space<vmem>> -> memref<1x80xi32, #tpu.memory_space<vmem>>
      %dma_wait3A_92 = tpu.memref_squeeze %dma_wait3A_91 : memref<1x80xi32, #tpu.memory_space<vmem>> -> memref<80xi32, #tpu.memory_space<vmem>>
      %dma_wait3A_93 = arith.constant 0 : i32
      %dma_wait3A_94 = arith.constant 0 : i32
      %dma_wait3A_95 = tpu.memref_slice %arg17[%dma_wait3A_93, %dma_wait3A_94] : memref<10112x64xbf16, #tpu.memory_space<vmem_shared>> -> memref<10112x64xbf16, #tpu.memory_space<vmem_shared>>
      tpu.wait_indirect_dma semaphore(%run_scoped3A_83 : memref<!tpu.dma_semaphore, #tpu.memory_space<semaphore_mem>>) src(%arg9 : memref<80x64xbf16, #tpu.memory_space<vmem>>) dst(%dma_wait3A_95 : memref<10112x64xbf16, #tpu.memory_space<vmem_shared>>)
      tpu.yield
    }) : () -> ()
    %dma_wait3A_68 = arith.constant 0 : i32
    %dma_wait3A_69 = arith.constant 0 : i32
    %dma_wait3A_70 = tpu.memref_slice %arg2[%dma_wait3A_68, %dma_wait3A_69] : memref<20000x64xbf16, #tpu.memory_space<hbm>> -> memref<80x64xbf16, #tpu.memory_space<hbm>>
    %dma_wait3A_71 = arith.constant 0 : i32
    %dma_wait3A_72 = arith.constant 0 : i32
    %dma_wait3A_73 = tpu.memref_slice %arg2[%dma_wait3A_71, %dma_wait3A_72] : memref<20000x64xbf16, #tpu.memory_space<hbm>> -> memref<80x64xbf16, #tpu.memory_space<hbm>>
    tpu.wait_dma2 semaphore(%arg19 : memref<!tpu.dma_semaphore, #tpu.memory_space<semaphore_mem>>) src(%dma_wait3A_73 : memref<80x64xbf16, #tpu.memory_space<hbm>>) dst(%arg10 : memref<80x64xbf16, #tpu.memory_space<vmem>>)
    %run_scoped3A_74 = arith.constant 249 : i32
    "tpu.region"() ({
      %run_scoped3A_83 = tpu.sem_alloc : memref<!tpu.dma_semaphore, #tpu.memory_space<semaphore_mem>>
      %dma_start3A_84 = arith.constant 0 : i32
      %dma_start3A_85 = tpu.memref_slice %arg8[%run_scoped3A_74, %dma_start3A_84] : memref<250x80xi32, #tpu.memory_space<vmem>> -> memref<1x80xi32, #tpu.memory_space<vmem>>
      %dma_start3A_86 = tpu.memref_squeeze %dma_start3A_85 : memref<1x80xi32, #tpu.memory_space<vmem>> -> memref<80xi32, #tpu.memory_space<vmem>>
      %dma_start3A_87 = arith.constant 0 : i32
      %dma_start3A_88 = arith.constant 0 : i32
      %dma_start3A_89 = tpu.memref_slice %arg17[%dma_start3A_87, %dma_start3A_88] : memref<10112x64xbf16, #tpu.memory_space<vmem_shared>> -> memref<10112x64xbf16, #tpu.memory_space<vmem_shared>>
      tpu.enqueue_indirect_dma source(%arg10 : memref<80x64xbf16, #tpu.memory_space<vmem>>) target(%dma_start3A_89 : memref<10112x64xbf16, #tpu.memory_space<vmem_shared>>) offsets(%dma_start3A_86 : memref<80xi32, #tpu.memory_space<vmem>>) semaphore(%run_scoped3A_83 : memref<!tpu.dma_semaphore, #tpu.memory_space<semaphore_mem>>) {add = true}
      %dma_wait3A_90 = arith.constant 0 : i32
      %dma_wait3A_91 = tpu.memref_slice %arg8[%run_scoped3A_74, %dma_wait3A_90] : memref<250x80xi32, #tpu.memory_space<vmem>> -> memref<1x80xi32, #tpu.memory_space<vmem>>
      %dma_wait3A_92 = tpu.memref_squeeze %dma_wait3A_91 : memref<1x80xi32, #tpu.memory_space<vmem>> -> memref<80xi32, #tpu.memory_space<vmem>>
      %dma_wait3A_93 = arith.constant 0 : i32
      %dma_wait3A_94 = arith.constant 0 : i32
      %dma_wait3A_95 = tpu.memref_slice %arg17[%dma_wait3A_93, %dma_wait3A_94] : memref<10112x64xbf16, #tpu.memory_space<vmem_shared>> -> memref<10112x64xbf16, #tpu.memory_space<vmem_shared>>
      tpu.wait_indirect_dma semaphore(%run_scoped3A_83 : memref<!tpu.dma_semaphore, #tpu.memory_space<semaphore_mem>>) src(%arg10 : memref<80x64xbf16, #tpu.memory_space<vmem>>) dst(%dma_wait3A_95 : memref<10112x64xbf16, #tpu.memory_space<vmem_shared>>)
      tpu.yield
    }) : () -> ()
    %barrier3A_75 = arith.constant 0 : index
    tpu.barrier barrier_id(%barrier3A_75)
    %mul3A_76 = arith.constant 632 : i32
    %mul3A_77 = arith.muli %arg1, %mul3A_76 : i32
    %mul3A_78 = arith.constant 10112 : i32
    %mul3A_79 = arith.muli %arg0, %mul3A_78 : i32
    %mul3A_80 = arith.constant 632 : i32
    %mul3A_81 = arith.muli %arg1, %mul3A_80 : i32
    %add3A_82 = arith.addi %mul3A_79, %mul3A_81 : i32
    "tpu.region"() ({
      %run_scoped3A_83 = tpu.sem_alloc : memref<!tpu.dma_semaphore, #tpu.memory_space<semaphore_mem>>
      %dma_start3A_84 = arith.constant 0 : i32
      %dma_start3A_85 = tpu.memref_slice %arg6[%add3A_82, %dma_start3A_84] : memref<20224x64xbf16, #tpu.memory_space<hbm>> -> memref<632x64xbf16, #tpu.memory_space<hbm>>
      %dma_start3A_86 = arith.constant 0 : i32
      %dma_start3A_87 = tpu.memref_slice %arg17[%mul3A_77, %dma_start3A_86] : memref<10112x64xbf16, #tpu.memory_space<vmem_shared>> -> memref<632x64xbf16, #tpu.memory_space<vmem_shared>>
      tpu.enqueue_dma source(%dma_start3A_87 : memref<632x64xbf16, #tpu.memory_space<vmem_shared>>) target(%dma_start3A_85 : memref<632x64xbf16, #tpu.memory_space<hbm>>) target_semaphore(%run_scoped3A_83 : memref<!tpu.dma_semaphore, #tpu.memory_space<semaphore_mem>>)
      %dma_wait3A_88 = arith.constant 0 : i32
      %dma_wait3A_89 = tpu.memref_slice %arg6[%add3A_82, %dma_wait3A_88] : memref<20224x64xbf16, #tpu.memory_space<hbm>> -> memref<632x64xbf16, #tpu.memory_space<hbm>>
      %dma_wait3A_90 = arith.constant 0 : i32
      %dma_wait3A_91 = tpu.memref_slice %arg17[%mul3A_77, %dma_wait3A_90] : memref<10112x64xbf16, #tpu.memory_space<vmem_shared>> -> memref<632x64xbf16, #tpu.memory_space<vmem_shared>>
      tpu.wait_dma2 semaphore(%run_scoped3A_83 : memref<!tpu.dma_semaphore, #tpu.memory_space<semaphore_mem>>) src(%dma_wait3A_91 : memref<632x64xbf16, #tpu.memory_space<vmem_shared>>) dst(%dma_wait3A_89 : memref<632x64xbf16, #tpu.memory_space<hbm>>)
      tpu.yield
    }) : () -> ()
    return
  }
}

module attributes {stable_mosaic.version = 14 : i64} {
  func.func @_mm1_body(%arg0: memref<10000x128xf32, #tpu.memory_space<vmem>>, %arg1: memref<128x128xf32, #tpu.memory_space<vmem>>, %arg2: memref<128x128xf32, #tpu.memory_space<vmem>>, %arg3: memref<1x128xf32, #tpu.memory_space<vmem>>, %arg4: memref<20000x64xbf16, #tpu.memory_space<vmem>>, %arg5: memref<10000x128xf32, #tpu.memory_space<vmem>>) attributes {dimension_semantics = [], scalar_prefetch = 0 : i64, scratch_operands = 0 : i64, tpu.core_type = #tpu.core_type<tc>} {
    %get3A = arith.constant 0 : index
    %get3A_0 = arith.constant 0 : index
    %get3A_1 = vector.load %arg0[%get3A, %get3A_0] : memref<10000x128xf32, #tpu.memory_space<vmem>>, vector<10000x128xf32>
    %get3A_2 = arith.constant 0 : index
    %get3A_3 = arith.constant 0 : index
    %get3A_4 = vector.load %arg1[%get3A_2, %get3A_3] : memref<128x128xf32, #tpu.memory_space<vmem>>, vector<128x128xf32>
    %dot_general3A = arith.constant dense<0.000000e+00> : vector<10000x128xf32>
    %dot_general3A_5 = tpu.matmul %get3A_1, %get3A_4, %dot_general3A {dimension_numbers = #tpu.dot_dimension_numbers<[1], [0], [0], [1], [0, 0, 1, 1], [], []>, precision = #tpu.contract_precision<fp32>, transpose_lhs_hint = false} : vector<10000x128xf32>, vector<128x128xf32>, vector<10000x128xf32> -> vector<10000x128xf32>
    %slice3A = vector.extract_strided_slice %dot_general3A_5 {offsets = [0, 0], sizes = [10000, 64], strides = [1, 1]} : vector<10000x128xf32> to vector<10000x64xf32>
    %slice3A_6 = vector.extract_strided_slice %dot_general3A_5 {offsets = [0, 64], sizes = [10000, 64], strides = [1, 1]} : vector<10000x128xf32> to vector<10000x64xf32>
    %concatenate3A = tpu.concatenate %slice3A, %slice3A_6 in 0 : vector<10000x64xf32>, vector<10000x64xf32> -> vector<20000x64xf32>
    %convert_element_type3A = arith.truncf %concatenate3A : vector<20000x64xf32> to vector<20000x64xbf16>
    %swap3A = arith.constant 0 : index
    %swap3A_7 = arith.constant 0 : index
    %swap3A_8 = vector.load %arg4[%swap3A, %swap3A_7] : memref<20000x64xbf16, #tpu.memory_space<vmem>>, vector<20000x64xbf16>
    tpu.vector_store %arg4[%swap3A, %swap3A_7], %convert_element_type3A {strides = array<i32>} : memref<20000x64xbf16, #tpu.memory_space<vmem>>, vector<20000x64xbf16>,
    %get3A_9 = arith.constant 0 : index
    %get3A_10 = arith.constant 0 : index
    %get3A_11 = vector.load %arg2[%get3A_9, %get3A_10] : memref<128x128xf32, #tpu.memory_space<vmem>>, vector<128x128xf32>
    %dot_general3A_12 = arith.constant dense<0.000000e+00> : vector<10000x128xf32>
    %dot_general3A_13 = tpu.matmul %get3A_1, %get3A_11, %dot_general3A_12 {dimension_numbers = #tpu.dot_dimension_numbers<[1], [0], [0], [1], [0, 0, 1, 1], [], []>, precision = #tpu.contract_precision<fp32>, transpose_lhs_hint = false} : vector<10000x128xf32>, vector<128x128xf32>, vector<10000x128xf32> -> vector<10000x128xf32>
    %get3A_14 = arith.constant 0 : index
    %get3A_15 = arith.constant 0 : index
    %get3A_16 = vector.load %arg3[%get3A_14, %get3A_15] : memref<1x128xf32, #tpu.memory_space<vmem>>, vector<1x128xf32>
    %add3A = vector.broadcast %get3A_16 : vector<1x128xf32> to vector<10000x128xf32>
    %add3A_17 = arith.addf %dot_general3A_13, %add3A : vector<10000x128xf32>
    %swap3A_18 = arith.constant 0 : index
    %swap3A_19 = arith.constant 0 : index
    %swap3A_20 = vector.load %arg5[%swap3A_18, %swap3A_19] : memref<10000x128xf32, #tpu.memory_space<vmem>>, vector<10000x128xf32>
    tpu.vector_store %arg5[%swap3A_18, %swap3A_19], %add3A_17 {strides = array<i32>} : memref<10000x128xf32, #tpu.memory_space<vmem>>, vector<10000x128xf32>,
    return
  }
}

module attributes {stable_mosaic.version = 14 : i64} {
  func.func @_combine1_body(%arg0: memref<10000x128xf32, #tpu.memory_space<vmem>>, %arg1: memref<2x10112x64xbf16, #tpu.memory_space<vmem>>, %arg2: memref<128x128xf32, #tpu.memory_space<vmem>>, %arg3: memref<128x128xf32, #tpu.memory_space<vmem>>, %arg4: memref<1x128xf32, #tpu.memory_space<vmem>>, %arg5: memref<20000x64xbf16, #tpu.memory_space<vmem>>, %arg6: memref<10000x128xf32, #tpu.memory_space<vmem>>) attributes {dimension_semantics = [], scalar_prefetch = 0 : i64, scratch_operands = 0 : i64, tpu.core_type = #tpu.core_type<tc>} {
    %get3A = arith.constant 0 : index
    %get3A_0 = arith.constant 0 : index
    %get3A_1 = arith.constant 0 : index
    %get3A_2 = vector.load %arg1[%get3A, %get3A_0, %get3A_1] : memref<2x10112x64xbf16, #tpu.memory_space<vmem>>, vector<1x10000x64xbf16>
    %get3A_3 = vector.shape_cast %get3A_2 : vector<1x10000x64xbf16> to vector<10000x64xbf16>
    %get3A_4 = arith.constant 1 : index
    %get3A_5 = arith.constant 0 : index
    %get3A_6 = arith.constant 0 : index
    %get3A_7 = vector.load %arg1[%get3A_4, %get3A_5, %get3A_6] : memref<2x10112x64xbf16, #tpu.memory_space<vmem>>, vector<1x10000x64xbf16>
    %get3A_8 = vector.shape_cast %get3A_7 : vector<1x10000x64xbf16> to vector<10000x64xbf16>
    %concatenate3A = tpu.concatenate %get3A_3, %get3A_8 in 1 : vector<10000x64xbf16>, vector<10000x64xbf16> -> vector<10000x128xbf16>
    %convert_element_type3A = arith.extf %concatenate3A : vector<10000x128xbf16> to vector<10000x128xf32>
    %get3A_9 = arith.constant 0 : index
    %get3A_10 = arith.constant 0 : index
    %get3A_11 = vector.load %arg0[%get3A_9, %get3A_10] : memref<10000x128xf32, #tpu.memory_space<vmem>>, vector<10000x128xf32>
    %add3A = arith.addf %get3A_11, %convert_element_type3A : vector<10000x128xf32>
    %max3A = arith.constant 0.000000e+00 : f32
    %max3A_12 = vector.broadcast %max3A : f32 to vector<10000x128xf32>
    %max3A_13 = arith.maximumf %add3A, %max3A_12 : vector<10000x128xf32>
    %get3A_14 = arith.constant 0 : index
    %get3A_15 = arith.constant 0 : index
    %get3A_16 = vector.load %arg2[%get3A_14, %get3A_15] : memref<128x128xf32, #tpu.memory_space<vmem>>, vector<128x128xf32>
    %dot_general3A = arith.constant dense<0.000000e+00> : vector<10000x128xf32>
    %dot_general3A_17 = tpu.matmul %max3A_13, %get3A_16, %dot_general3A {dimension_numbers = #tpu.dot_dimension_numbers<[1], [0], [0], [1], [0, 0, 1, 1], [], []>, precision = #tpu.contract_precision<fp32>, transpose_lhs_hint = false} : vector<10000x128xf32>, vector<128x128xf32>, vector<10000x128xf32> -> vector<10000x128xf32>
    %slice3A = vector.extract_strided_slice %dot_general3A_17 {offsets = [0, 0], sizes = [10000, 64], strides = [1, 1]} : vector<10000x128xf32> to vector<10000x64xf32>
    %slice3A_18 = vector.extract_strided_slice %dot_general3A_17 {offsets = [0, 64], sizes = [10000, 64], strides = [1, 1]} : vector<10000x128xf32> to vector<10000x64xf32>
    %concatenate3A_19 = tpu.concatenate %slice3A, %slice3A_18 in 0 : vector<10000x64xf32>, vector<10000x64xf32> -> vector<20000x64xf32>
    %convert_element_type3A_20 = arith.truncf %concatenate3A_19 : vector<20000x64xf32> to vector<20000x64xbf16>
    %swap3A = arith.constant 0 : index
    %swap3A_21 = arith.constant 0 : index
    %swap3A_22 = vector.load %arg5[%swap3A, %swap3A_21] : memref<20000x64xbf16, #tpu.memory_space<vmem>>, vector<20000x64xbf16>
    tpu.vector_store %arg5[%swap3A, %swap3A_21], %convert_element_type3A_20 {strides = array<i32>} : memref<20000x64xbf16, #tpu.memory_space<vmem>>, vector<20000x64xbf16>,
    %get3A_23 = arith.constant 0 : index
    %get3A_24 = arith.constant 0 : index
    %get3A_25 = vector.load %arg3[%get3A_23, %get3A_24] : memref<128x128xf32, #tpu.memory_space<vmem>>, vector<128x128xf32>
    %dot_general3A_26 = arith.constant dense<0.000000e+00> : vector<10000x128xf32>
    %dot_general3A_27 = tpu.matmul %max3A_13, %get3A_25, %dot_general3A_26 {dimension_numbers = #tpu.dot_dimension_numbers<[1], [0], [0], [1], [0, 0, 1, 1], [], []>, precision = #tpu.contract_precision<fp32>, transpose_lhs_hint = false} : vector<10000x128xf32>, vector<128x128xf32>, vector<10000x128xf32> -> vector<10000x128xf32>
    %get3A_28 = arith.constant 0 : index
    %get3A_29 = arith.constant 0 : index
    %get3A_30 = vector.load %arg4[%get3A_28, %get3A_29] : memref<1x128xf32, #tpu.memory_space<vmem>>, vector<1x128xf32>
    %add3A_31 = vector.broadcast %get3A_30 : vector<1x128xf32> to vector<10000x128xf32>
    %add3A_32 = arith.addf %dot_general3A_27, %add3A_31 : vector<10000x128xf32>
    %swap3A_33 = arith.constant 0 : index
    %swap3A_34 = arith.constant 0 : index
    %swap3A_35 = vector.load %arg6[%swap3A_33, %swap3A_34] : memref<10000x128xf32, #tpu.memory_space<vmem>>, vector<10000x128xf32>
    tpu.vector_store %arg6[%swap3A_33, %swap3A_34], %add3A_32 {strides = array<i32>} : memref<10000x128xf32, #tpu.memory_space<vmem>>, vector<10000x128xf32>,
    return
  }
}

module attributes {stable_mosaic.version = 14 : i64} {
  func.func @_combine2_body(%arg0: memref<10000x128xf32, #tpu.memory_space<vmem>>, %arg1: memref<2x10112x64xbf16, #tpu.memory_space<vmem>>, %arg2: memref<10000x128xf32, #tpu.memory_space<vmem>>) attributes {dimension_semantics = [], scalar_prefetch = 0 : i64, scratch_operands = 0 : i64, tpu.core_type = #tpu.core_type<tc>} {
    %get3A = arith.constant 0 : index
    %get3A_0 = arith.constant 0 : index
    %get3A_1 = arith.constant 0 : index
    %get3A_2 = vector.load %arg1[%get3A, %get3A_0, %get3A_1] : memref<2x10112x64xbf16, #tpu.memory_space<vmem>>, vector<1x10000x64xbf16>
    %get3A_3 = vector.shape_cast %get3A_2 : vector<1x10000x64xbf16> to vector<10000x64xbf16>
    %get3A_4 = arith.constant 1 : index
    %get3A_5 = arith.constant 0 : index
    %get3A_6 = arith.constant 0 : index
    %get3A_7 = vector.load %arg1[%get3A_4, %get3A_5, %get3A_6] : memref<2x10112x64xbf16, #tpu.memory_space<vmem>>, vector<1x10000x64xbf16>
    %get3A_8 = vector.shape_cast %get3A_7 : vector<1x10000x64xbf16> to vector<10000x64xbf16>
    %concatenate3A = tpu.concatenate %get3A_3, %get3A_8 in 1 : vector<10000x64xbf16>, vector<10000x64xbf16> -> vector<10000x128xbf16>
    %convert_element_type3A = arith.extf %concatenate3A : vector<10000x128xbf16> to vector<10000x128xf32>
    %get3A_9 = arith.constant 0 : index
    %get3A_10 = arith.constant 0 : index
    %get3A_11 = vector.load %arg0[%get3A_9, %get3A_10] : memref<10000x128xf32, #tpu.memory_space<vmem>>, vector<10000x128xf32>
    %add3A = arith.addf %get3A_11, %convert_element_type3A : vector<10000x128xf32>
    %swap3A = arith.constant 0 : index
    %swap3A_12 = arith.constant 0 : index
    %swap3A_13 = vector.load %arg2[%swap3A, %swap3A_12] : memref<10000x128xf32, #tpu.memory_space<vmem>>, vector<10000x128xf32>
    tpu.vector_store %arg2[%swap3A, %swap3A_12], %add3A {strides = array<i32>} : memref<10000x128xf32, #tpu.memory_space<vmem>>, vector<10000x128xf32>,
    return
  }
}

</mosaic_0001>

<sc_bundles>
// kernel: kernel.10.cloned.1.call-start
scs
__scs_entry_jumppad:
0x0: {  	(pc) =	sbr.rel $0x88, $3  }
0x1: {  	(tag) =	ssettag $0x0;
	lr =	simm.s32 $0x1  }
0x2: {  	[smem:$0x3F99] =	sst lr;
	_ =	strace $0xD0000000  }
0x3: {  	_ = 	snop  }
0x4: {  	_ = 	snop  }
0x5: {  	_ = 	snop  }
0x6: {  	_ = 	snop  }
0x7: {  	_ = 	snop  }
__scs_overlays_trampoline_lowered:
0x8: {  	[smem:$0x3FA8] =	sst s0  }
0x9: {  	[smem:$0x3FA9] =	sst s1  }
0xa: {  	[smem:$0x3FAA] =	sst s2  }
0xb: {  	[smem:$0x3FAB] =	sst s3  }
0xc: {  	[smem:$0x3FAC] =	sst s4  }
0xd: {  	[smem:$0x3FAD] =	sst s5  }
0xe: {  	[smem:$0x3FAE] =	sst s6  }
0xf: {  	[smem:$0x3FAF] =	sst s7  }
0x10: {  	[smem:$0x3FB0] =	sst s8  }
0x11: {  	[smem:$0x3FB1] =	sst s9;
	s0 =	simm.s32 @!p0 $0x0  }
0x12: {  	s1 =	sld [smem:$0x3F97];
	s0 =	simm.s32 @p0 $0x1  }
0x13: {  	[smem:$0x3FB2] =	sst s0;
	s0 =	simm.s32 @!p1 $0x0  }
0x14: {  	s2 =	sld [smem:$0x3F96];
	s0 =	simm.s32 @p1 $0x1  }
0x15: {  	[smem:$0x3FB3] =	sst s0;
	s0 =	simm.s32 @!p2 $0x0  }
0x16: {  	s3 =	sld [smem:$0x3FDB];
	s0 =	simm.s32 @p2 $0x1  }
0x17: {  	s4 =	simm.s32 $0x1BF5;
	[smem:$0x3FB5] =	sst s0  }
0x18: {  	s0 =	sld [smem:$0x3F98];
	_ =	swait.ge [sflag:s4], $0x0  }
0x19: {  	s7 =	sld [smem:$0x3F99]  }
0x1a: {  	s8 =	sadd.s32 $0xFFFFE003, lr  }
0x1b: {  	s9 =	sadd.s32 $0xFFFFFEF7, lr;
	s5 =	simm.s32 $0xFFFFFFFF;
	p2 =	slt.u32 s8, $0xFFFFF086  }
0x1c: {  	p1 =	slt.u32 s9, $0xF7A;
	s5 =	simm.s32 @!p2 $0x0  }
0x1d: {  	s5 =	simm.s32 @p1 $0x1;
	p0 =	seq.s32 s7, s2  }
0x1e: {  	s7 =	smul.u32 @!p0 $0xF7A, s2;
	p2 =	seq.s32 @!p0 s5, $0x0  }
0x1f: {  	s9 =	smul.u32 $0xF7A, s1;
	s8 =	simm.s32 @!p0 $0x1BF5;
	p2 =	por !p2, p0  }
0x20: {  	[sflag:s8] =	ssyncset.s32 @!p0 $0xFFFFF086;
	s6 =	sadd.s32 @!p0 s3, s7;
	s7 =	simm.s32 @!p0 $0x108  }
0x21: {  	s3 =	sadd.s32 s3, s9;
	s6 =	sadd.s32 @!p0 $0x88, s6;
	s7 =	simm.s32 @p2 $0x1082  }
0x22: {  	[simem:s7], [sflag:s8] =	dma.local @!p0 [hbm:s6], $0xF7A  }
0x23: {  	s9 =	sor.u32 $0xD0000000, s2;
	s6 =	simm.s32 $0x108;
	_ =	swait.ge @!p0 [sflag:s8], $0x0  }
0x24: {  	s3 =	sadd.s32 $0x88, s3;
	s6 =	simm.s32 @!p1 $0x1082;
	[sflag:s4] =	ssyncset.s32 $0xFFFFF086  }
0x25: {  	[simem:s6], [sflag:s4] =	dma.local [hbm:s3], $0xF7A  }
0x26: {  	[smem:$0x3F99] =	sst s1;
	(tag) =	ssettag s2;
	_ =	strace s9  }
0x27: {  	s1 =	sld [smem:$0x3FA9]  }
0x28: {  	s2 =	sld [smem:$0x3FAA]  }
0x29: {  	s4 =	sld [smem:$0x3FAC]  }
0x2a: {  	p0 =	seq.s32 s5, $0x0;
	s5 =	sld [smem:$0x3FAD]  }
0x2b: {  	s6 =	sld [smem:$0x3FAE]  }
0x2c: {  	s7 =	sld [smem:$0x3FAF]  }
0x2d: {  	s3 =	simm.s32 $0x108;
	s8 =	sld [smem:$0x3FB0]  }
0x2e: {  	s3 =	simm.s32 @!p0 $0x1082;
	s9 =	sld [smem:$0x3FB1]  }
0x2f: {  	lr =	sadd.s32 s0, s3;
	s0 =	sld [smem:$0x3FA8]  }
0x30: {  	s3 =	sld [smem:$0x3FAB]  }
0x31: {  	[smem:$0x3FB4] =	sst s10  }
0x32: {  	s10 =	sld [smem:$0x3FB2];
	_ =	sdelay $0x3  }
0x33: {  	p0 =	seq.s32 s10, $0x1;
	s10 =	sld [smem:$0x3FB4];
	_ =	sdelay $0x3  }
0x34: {  	[smem:$0x3FB4] =	sst s10  }
0x35: {  	s10 =	sld [smem:$0x3FB3];
	_ =	sdelay $0x3  }
0x36: {  	p1 =	seq.s32 s10, $0x1;
	s10 =	sld [smem:$0x3FB4];
	_ =	sdelay $0x3  }
0x37: {  	[smem:$0x3FB4] =	sst s10  }
0x38: {  	s10 =	sld [smem:$0x3FB5]  }
0x39: {  	_ = 	snop;
	(pc) =	sbr.ind lr, $3  }
0x3a: {  	_ = 	snop  }
0x3b: {  	_ = 	snop  }
0x3c: {  	p2 =	seq.s32 s10, $0x1;
	s10 =	sld [smem:$0x3FB4]  }
0x3d: {  	_ =	shalt  }
0x3e: {  	_ =	shalt  }
0x3f: {  	_ =	shalt  }
0x40: {  	_ =	shalt  }
0x41: {  	_ =	shalt  }
0x42: {  	_ =	shalt  }
0x43: {  	_ =	shalt  }
0x44: {  	_ =	shalt  }
0x45: {  	_ =	shalt  }
0x46: {  	_ =	shalt  }
0x47: {  	_ =	shalt  }
0x48: {  	_ =	shalt  }
0x49: {  	_ =	shalt  }
0x4a: {  	_ =	shalt  }
0x4b: {  	_ =	shalt  }
0x4c: {  	_ =	shalt  }
0x4d: {  	_ =	shalt  }
0x4e: {  	_ =	shalt  }
0x4f: {  	_ =	shalt  }
0x50: {  	_ =	shalt  }
0x51: {  	_ =	shalt  }
0x52: {  	_ =	shalt  }
0x53: {  	_ =	shalt  }
0x54: {  	_ =	shalt  }
0x55: {  	_ =	shalt  }
0x56: {  	_ =	shalt  }
0x57: {  	_ =	shalt  }
0x58: {  	_ =	shalt  }
0x59: {  	_ =	shalt  }
0x5a: {  	_ =	shalt  }
0x5b: {  	_ =	shalt  }
0x5c: {  	_ =	shalt  }
0x5d: {  	_ =	shalt  }
0x5e: {  	_ =	shalt  }
0x5f: {  	_ =	shalt  }
0x60: {  	_ =	shalt  }
0x61: {  	_ =	shalt  }
0x62: {  	_ =	shalt  }
0x63: {  	_ =	shalt  }
0x64: {  	_ =	shalt  }
0x65: {  	_ =	shalt  }
0x66: {  	_ =	shalt  }
0x67: {  	_ =	shalt  }
0x68: {  	_ =	shalt  }
0x69: {  	_ =	shalt  }
0x6a: {  	_ =	shalt  }
0x6b: {  	_ =	shalt  }
0x6c: {  	_ =	shalt  }
0x6d: {  	_ =	shalt  }
0x6e: {  	_ =	shalt  }
0x6f: {  	_ =	shalt  }
0x70: {  	_ =	shalt  }
0x71: {  	_ =	shalt  }
0x72: {  	_ =	shalt  }
0x73: {  	_ =	shalt  }
0x74: {  	_ =	shalt  }
0x75: {  	_ =	shalt  }
0x76: {  	_ =	shalt  }
0x77: {  	_ =	shalt  }
0x78: {  	_ =	shalt  }
0x79: {  	_ =	shalt  }
0x7a: {  	_ =	shalt  }
0x7b: {  	_ =	shalt  }
0x7c: {  	_ =	shalt  }
0x7d: {  	_ =	shalt  }
0x7e: {  	_ =	shalt  }
0x7f: {  	_ =	shalt  }
0x80: {  	_ =	shalt  }
0x81: {  	_ =	shalt  }
0x82: {  	_ =	shalt  }
0x83: {  	_ =	shalt  }
0x84: {  	_ =	shalt  }
0x85: {  	_ =	shalt  }
0x86: {  	_ =	shalt  }
0x87: {  	_ =	shalt  }
.Lfunc_end0:
.L_simem_size_0:
called_computation.1_lowered:
.L_overlay_start_0:
0x88: {  	s2 =	sld [smem:$0x3FD9]  }
0x89: {  	s3 =	sld [smem:$0x3FFE];
	_ =	sdelay $0x1  }
0x8a: {  	s1 =	srdreg.scid  }
0x8b: {  	s0 =	sand.u32 $0x1, s1  }
0x8c: {  	s17 =	sshll.u32 s0, $0xA;
	s2 =	sadd.s32 s3, s2  }
0x8d: {  	s2 =	sadd.s32 s2, s17  }
0x8e: {  	[smem:$0x3FC0] =	sst s2  }
0x8f: {  	_ = 	snop  }
0x90: {  	s2 =	sld [smem:$0x3FD0];
	(tm) =	ssettm $0x1  }
0x91: {  	s18 =	sld [smem:$0x3FFB];
	_ =	sdelay $0x3  }
0x92: {  	_ =	strace s18  }
0x93: {  	s3 =	sld [smem:$0x3FFC];
	_ =	sdelay $0x3  }
0x94: {  	_ =	strace s3  }
0x95: {  	s3 =	sld [smem:$0x3FFD];
	_ =	sdelay $0x3  }
0x96: {  	_ =	strace s3  }
0x97: {  	_ =	strace $0x8FFFFFFF  }
0x98: {  	s19 =	sld [smem:$0x3FDB];
	_ =	sdelay $0x1  }
0x99: {  	s4 =	simm.s32 $_scs_section_size  }
0x9a: {  	s5 =	simm.s32 $_size__tile_overlayer_lowered;
	s6 =	simm.s32 $_tile_overlayer_lowered  }
0x9b: {  	s22 =	simm.s32 $0x1BFF;
	s21 =	sshll.u32 s6, $0x1;
	s3 =	sadd.s32 s4, s19  }
0x9c: {  	s7 =	simm.s32 $0x0;
	s20 =	sshll.u32 s5, $0x1;
	s5 =	sadd.s32 s21, s3  }
0x9d: {  	[timem:s7], [sflag:s22] =	dma.local [hbm:s5], s20  }
0x9e: {  	_ =	swait.ge [sflag:s22], s20  }
0x9f: {  	s4 =	ssub.s32 $0x0, s20;
	[sflag:s22] =	ssyncset.done $0x0  }
0xa0: {  	[sflag:s22] =	ssyncadd.s32 s4;
	_ =	sdelay $0x1  }
0xa1: {  	s23 =	simm.s32 $0x1B8B  }
0xa2: {  	_ =	swait.ge [sflag:s23], $0x1  }
0xa3: {  	[sflag:s23] =	ssyncset.done $0x0  }
0xa4: {  	s25 =	simm.s32 $0x1B8E;
	s24 =	sld [smem:$0x3FFE];
	[sflag:s23] =	ssyncadd.s32 $0xFFFFFFFF  }
0xa5: {  	s26 =	simm.s32 $execute0_lowered;
	[smem:$0x3FD2] =	sst s25  }
0xa6: {  	s5 =	sshll.u32 s26, $0x1;
	_ =	strace $0x80000049;
	[dreg:$0x1] =	wrdreg $0xFFFFFFFF  }
0xa7: {  	s28 =	simm.s32 $_size_execute0_lowered;
	s3 =	sadd.s32 s3, s5;
	[dreg:$0x0] =	wrdreg $0x0  }
0xa8: {  	s5 =	sshll.u32 s28, $0x1;
	[dreg:$0x2] =	wrdreg s3  }
0xa9: {  	[dreg:$0x3] =	wrdreg s5  }
0xaa: {  	[dreg:$0x4] =	wrdreg $0xC0  }
0xab: {  	_ =	task [dreg:s7], $0x5FFFF  }
0xac: {  	[dreg:$0x1] =	wrdreg $0xFFFFFFFF  }
0xad: {  	[dreg:$0x0] =	wrdreg $0x60  }
0xae: {  	[dreg:$0x2] =	wrdreg s24  }
0xaf: {  	[dreg:$0x3] =	wrdreg s2  }
0xb0: {  	[dreg:$0x4] =	wrdreg $0xEC400  }
0xb1: {  	[dreg:$0x5] =	wrdreg $0x9  }
0xb2: {  	_ =	task.clear_ibuf [dreg:s7], $0x6FFFF;
	_ =	strace $0x90000049  }
0xb3: {  	s29 =	simm.s32 $0x9;
	_ =	strace $0x8000004B  }
0xb4: {  	_ =	swait.ge [sflag:s29], $0x1  }
0xb5: {  	[sflag:s29] =	ssyncadd.s32 $0xFFFFFFFF  }
0xb6: {  	_ =	strace $0x9000004B  }
0xb7: {  	_ =	sfence  }
0xb8: {  	s30 =	sld [smem:$0x0];
	_ =	sdelay $0x2  }
0xb9: {  	s31 =	sshll.u32 s1, $0xD;
	s1 =	sshrl.u32 s1, $0x2  }
0xba: {  	s3 =	sand.u32 $0x4000, s31;
	s1 =	sadd.s32 s1, s30  }
0xbb: {  	s0 =	sor.u32 s3, s0;
	s1 =	sshll.u32 s1, $0x11  }
0xbc: {  	s0 =	sor.u32 s1, s0  }
0xbd: {  	s0 =	sadd.s32 $0x8F2B, s0  }
0xbe: {  	[sflag:s0] =	ssyncadd.remote.s32 $0x1  }
0xbf: {  	_ =	sfence.sel $0xFFFF  }
0xc0: {  	[dreg:$0x0] =	wrdreg $0xFFFFFFFF;
	(pc) =	sbr.abs _section_cstart, $3  }
0xc1: {  	[dreg:$0x1] =	wrdreg $0xFFFFFFFF  }
0xc2: {  	_ =	task.clear_ibuf [dreg:s7], $0x2FFFF;
	_ =	strace $0x9FFFFFFF  }
0xc3: {  	(tm) =	ssettm $0x7FFFFFFF  }
tec
execute0_lowered:
.L_overlay_start_1:
0x0: {  	(tag) =	ssettag $0x1  }
0x1: {  	s1 =	rddreg [dreg:$0x0]  }
0x2: {  	s0 =	srdreg.scid;
	s9 =	rddreg [dreg:$0x1]  }
0x3: {  	s10 =	stileid.u32;
	s2 =	rddreg [dreg:$0x2];
	s14 =	simm.s32 $0x9C40  }
0x4: {  	s15 =	simm.s32 $0xA640;
	s17 =	simm.s32 $0xB040;
	s21 =	simm.s32 $0xC440  }
0x5: {  	s28 =	simm.s32 $0xE240;
	s29 =	simm.s32 $0x1;
	s30 =	simm.s32 $0x2  }
0x6: {  	s31 =	simm.s32 $0x3;
	s0 =	sand.u32 $0x1, s0;
	s6 =	smul.u32 $0x9C4, s10  }
0x7: {  	s19 =	simm.s32 $0x0;
	s7 =	smul.u32 $0x9E0, s10;
	s3 =	sshll.u32 s0, $0x4  }
0x8: {  	s8 =	ssub.s32 $0x2, s0;
	s0 =	smul.u32 $0x9E00, s0;
	s4 =	sor.u32 s10, s3  }
0x9: {  	s3 =	simm.s32 $0x0;
	s10 =	smul.u32 $0x13C00, s10;
	s12 =	sshrl.u32 s8, $0x1  }
0xa: {  	s13 =	sadd.s32 s6, s1;
	s5 =	smul.u32 $0x9C4, s4;
	[smem:$0x7FF] =	sst s3  }
0xb: {  	s4 =	sadd.s32 $0x1FA00, s1;
	s23 =	ssub.s32 s8, s12;
	s0 =	sadd.s32 s7, s0  }
0xc: {  	s25 =	sadd.s32 $0x2200, s13;
	s13 =	simm.s32 $0x50;
	s12 =	simm.s32 $0x7  }
0xd: {  	_ =	strace $0x8000004A;
	s24 =	sshrl.u32 s10, $0x2;
	[dreg:$0x6] =	wrdreg s25  }
.Ltmp0:
0xe: {  	s0 =	sadd.s32 s9, s0;
	s10 =	smax.u32 s23, $0x1;
	(pc) =	sbr.rel .LBB2_1-.Ltmp0, $4  }
0xf: {  	s11 =	sadd.s32 s5, s1;
	s1 =	sadd.s32 $0x1800, s1;
	[dreg:$0x8] =	wrdreg s0  }
0x10: {  	s25 =	simm.s32 $0xD840;
	s26 =	sadd.s32 s24, s2;
	[dreg:$0x4] =	wrdreg s1  }
0x11: {  	s0 =	simm.s32 $0x8;
	s5 =	sadd.s32 $0xC000, s11;
	[dreg:$0x7] =	wrdreg s26  }
0x12: {  	s11 =	simm.s32 $0x9;
	s1 =	simm.s32 $0x5;
	[dreg:$0x5] =	wrdreg s5  }
.LBB2_4:
0x13: {  	_ =	swait.ge [sflag:s0], $0xA00  }
0x14: {  	[sflag:s0] =	ssyncset.done $0x0  }
0x15: {  	[sflag:s0] =	ssyncadd.s32 $0xFFFFF600  }
0x16: {  	[spmem:s2] =	stream.indirect.scatter.add.bf16 [tilespmem:s28], [sflag:$0x9], $0x20, s26, s13, $0xb8;
	[tilespmem:$0x13B40] =	vst v63  }
0x17: {  	_ =	swait.ge [sflag:s11], $0xA00  }
0x18: {  	[sflag:s11] =	ssyncset.done $0x0  }
0x19: {  	[sflag:s11] =	ssyncadd.s32 $0xFFFFF600  }
0x1a: {  	_ =	swait.ge [sflag:s29], $0xA00  }
0x1b: {  	[sflag:s29] =	ssyncset.done $0x0  }
0x1c: {  	s5 =	simm.s32 $0x9BA0;
	[sflag:s29] =	ssyncadd.s32 $0xFFFFF600  }
0x1d: {  	[spmem:s2] =	stream.indirect.scatter.add.bf16 [tilespmem:s14], [sflag:$0x9], $0x20, s5, s13, $0xb8;
	[tilespmem:$0x13B40] =	vst v63  }
0x1e: {  	_ =	swait.ge [sflag:s11], $0xA00  }
0x1f: {  	[sflag:s11] =	ssyncset.done $0x0  }
0x20: {  	[sflag:s11] =	ssyncadd.s32 $0xFFFFF600  }
0x21: {  	_ =	swait.ge [sflag:s30], $0xA00  }
0x22: {  	[sflag:s30] =	ssyncset.done $0x0  }
0x23: {  	s24 =	simm.s32 $0x9BF0;
	[sflag:s30] =	ssyncadd.s32 $0xFFFFF600  }
0x24: {  	[spmem:s2] =	stream.indirect.scatter.add.bf16 [tilespmem:s15], [sflag:$0x9], $0x20, s24, s13, $0xb8;
	[tilespmem:$0x13B40] =	vst v63  }
0x25: {  	_ =	swait.ge [sflag:s11], $0xA00  }
0x26: {  	[sflag:s11] =	ssyncset.done $0x0  }
0x27: {  	s19 =	sadd.s32 $0x1, s19;
	[sflag:s11] =	ssyncadd.s32 $0xFFFFF600  }
0x28: {  	p0 =	sne.s32 s19, s10;
	[bflag:$0x0] =	sbarrier.arrive $0xFFFF  }
.Ltmp1:
0x29: {  	s26 =	rddreg [dreg:$0x8];
	(pc) =	sbr.rel @!p0 .LBB2_5-.Ltmp1, $4  }
0x2a: {  	[hbm:s26], [sflag:s20] =	dma.local [spmem:s22], $0x9E0  }
0x2b: {  	_ =	swait.ge [sflag:s11], $0x9E0  }
0x2c: {  	[sflag:s11] =	ssyncset.done $0x0  }
0x2d: {  	[sflag:s11] =	ssyncadd.s32 $0xFFFFF620  }
.LBB2_1:
0x2e: {  	s5 =	rddreg [dreg:$0x5]  }
0x2f: {  	[tilespmem:s3], [sflag:$0x9] =	stream.linear.gather [hbm4b:s5+s3], $0x4E20, $0x38;
	[tilespmem:$0x13B40] =	vst v63  }
0x30: {  	_ =	swait.ge [sflag:s11], $0x4E20  }
0x31: {  	[sflag:s11] =	ssyncset.done $0x0  }
0x32: {  	s6 =	simm.s32 $0x4E20;
	s26 =	rddreg [dreg:$0x6];
	[sflag:s11] =	ssyncadd.s32 $0xFFFFB1E0  }
0x33: {  	[tilespmem:s6], [sflag:$0x9] =	stream.linear.gather [hbm4b:s26+s3], $0x4E20, $0x38;
	[tilespmem:$0x13B40] =	vst v63  }
0x34: {  	_ =	swait.ge [sflag:s11], $0x4E20  }
0x35: {  	[sflag:s11] =	ssyncset.done $0x0  }
0x36: {  	[sflag:s11] =	ssyncadd.s32 $0xFFFFB1E0  }
0x37: {  	[tilespmem:s14], [sflag:$0x1] =	stream.indirect.gather [hbm4b:s4+s13], $0x20, s3, s13, $0xb8;
	[tilespmem:$0x13B40] =	vst v63  }
0x38: {  	_ = 	snop  }
0x39: {  	[tilespmem:s15], [sflag:$0x2] =	stream.indirect.gather [hbm4b:s4+s13], $0x20, s13, s13, $0xb8;
	[tilespmem:$0x13B40] =	vst v63  }
0x3a: {  	s6 =	simm.s32 $0xA0  }
0x3b: {  	[tilespmem:s17], [sflag:$0x3] =	stream.indirect.gather [hbm4b:s4+s13], $0x20, s6, s13, $0xb8;
	[tilespmem:$0x13B40] =	vst v63  }
0x3c: {  	s7 =	simm.s32 $0xF0;
	s8 =	simm.s32 $0xBA40  }
0x3d: {  	[tilespmem:s8], [sflag:$0x4] =	stream.indirect.gather [hbm4b:s4+s13], $0x20, s7, s13, $0xb8;
	[tilespmem:$0x13B40] =	vst v63  }
0x3e: {  	s9 =	simm.s32 $0x140  }
0x3f: {  	[tilespmem:s21], [sflag:$0x5] =	stream.indirect.gather [hbm4b:s4+s13], $0x20, s9, s13, $0xb8;
	[tilespmem:$0x13B40] =	vst v63  }
0x40: {  	s16 =	simm.s32 $0x190;
	s18 =	simm.s32 $0xCE40  }
0x41: {  	[tilespmem:s18], [sflag:$0x6] =	stream.indirect.gather [hbm4b:s4+s13], $0x20, s16, s13, $0xb8;
	[tilespmem:$0x13B40] =	vst v63  }
0x42: {  	s20 =	simm.s32 $0x1E0;
	s23 =	stileid.u32  }
0x43: {  	[tilespmem:s25], [sflag:$0x7] =	stream.indirect.gather [hbm4b:s4+s13], $0x20, s20, s13, $0xb8;
	[tilespmem:$0x13B40] =	vst v63  }
0x44: {  	s22 =	simm.s32 $0x230;
	s24 =	rddreg [dreg:$0x7];
	s20 =	sshll.u32 s23, $0x6  }
0x45: {  	[tilespmem:s28], [sflag:$0x8] =	stream.indirect.gather [hbm4b:s4+s13], $0x20, s22, s13, $0xb8;
	[tilespmem:$0x13B40] =	vst v63  }
0x46: {  	s26 =	rddreg [dreg:$0x4];
	s20 =	sor.u32 $0x1C09, s20;
	s22 =	sshrl.u32 s24, $0x3  }
0x47: {  	[spmem:s22], [sflag:s20] =	dma.local [hbm:s26], $0x9E0  }
0x48: {  	_ =	swait.ge [sflag:s11], $0x9E0  }
0x49: {  	[sflag:s11] =	ssyncset.done $0x0  }
0x4a: {  	[sflag:s11] =	ssyncadd.s32 $0xFFFFF620  }
0x4b: {  	s23 =	simm.s32 $0x0;
	[bflag:$0x0] =	sbarrier.arrive $0xFFFF  }
.LBB2_2:
0x4c: {  	_ =	swait.ge [sflag:s29], $0xA00  }
0x4d: {  	s24 =	sshra.s32 s23, $0x2;
	[sflag:s29] =	ssyncset.done $0x0  }
0x4e: {  	s26 =	sadd.s32 $0x4E20, s24;
	[sflag:s29] =	ssyncadd.s32 $0xFFFFF600  }
0x4f: {  	[spmem:s2] =	stream.indirect.scatter.add.bf16 [tilespmem:s14], [sflag:$0x9], $0x20, s26, s13, $0xb8;
	[tilespmem:$0x13B40] =	vst v63  }
0x50: {  	_ =	swait.ge [sflag:s11], $0xA00  }
0x51: {  	[sflag:s11] =	ssyncset.done $0x0  }
0x52: {  	s5 =	sadd.s32 $0x280, s24;
	[sflag:s11] =	ssyncadd.s32 $0xFFFFF600  }
0x53: {  	[tilespmem:s14], [sflag:$0x1] =	stream.indirect.gather [hbm4b:s4+s13], $0x20, s5, s13, $0xb8;
	[tilespmem:$0x13B40] =	vst v63  }
0x54: {  	_ =	swait.ge [sflag:s30], $0xA00  }
0x55: {  	[sflag:s30] =	ssyncset.done $0x0  }
0x56: {  	s6 =	sadd.s32 $0x4E70, s24;
	[sflag:s30] =	ssyncadd.s32 $0xFFFFF600  }
0x57: {  	[spmem:s2] =	stream.indirect.scatter.add.bf16 [tilespmem:s15], [sflag:$0x9], $0x20, s6, s13, $0xb8;
	[tilespmem:$0x13B40] =	vst v63  }
0x58: {  	_ =	swait.ge [sflag:s11], $0xA00  }
0x59: {  	[sflag:s11] =	ssyncset.done $0x0  }
0x5a: {  	s7 =	sadd.s32 $0x2D0, s24;
	[sflag:s11] =	ssyncadd.s32 $0xFFFFF600  }
0x5b: {  	[tilespmem:s15], [sflag:$0x2] =	stream.indirect.gather [hbm4b:s4+s13], $0x20, s7, s13, $0xb8;
	[tilespmem:$0x13B40] =	vst v63  }
0x5c: {  	_ =	swait.ge [sflag:s31], $0xA00  }
0x5d: {  	[sflag:s31] =	ssyncset.done $0x0  }
0x5e: {  	s8 =	sadd.s32 $0x4EC0, s24;
	[sflag:s31] =	ssyncadd.s32 $0xFFFFF600  }
0x5f: {  	[spmem:s2] =	stream.indirect.scatter.add.bf16 [tilespmem:s17], [sflag:$0x9], $0x20, s8, s13, $0xb8;
	[tilespmem:$0x13B40] =	vst v63  }
0x60: {  	_ =	swait.ge [sflag:s11], $0xA00  }
0x61: {  	p0 =	seq.s32 s23, $0x12C00;
	[sflag:s11] =	ssyncset.done $0x0  }
0x62: {  	s26 =	simm.s32 @p0 $0x4;
	[sflag:s11] =	ssyncadd.s32 $0xFFFFF600  }
0x63: {  	_ =	swait.ge @p0 [sflag:s26], $0xA00  }
0x64: {  	[sflag:s26] =	ssyncset.done @p0 $0x0  }
0x65: {  	[sflag:s26] =	ssyncadd.s32 @p0 $0xFFFFF600;
	s26 =	sshra.s32 @p0 s23, $0x2  }
0x66: {  	s18 =	simm.s32 @p0 $0x50;
	s5 =	simm.s32 @p0 $0xBA40;
	s16 =	sadd.s32 @p0 $0x4F10, s26  }
0x67: {  	[spmem:s2] =	stream.indirect.scatter.add.bf16 @p0 [tilespmem:s5], [sflag:$0x9], $0x20, s16, s18, $0xb8;
	[tilespmem:$0x13B40] =	vst v63  }
0x68: {  	s5 =	simm.s32 @p0 $0x9  }
0x69: {  	_ =	swait.ge @p0 [sflag:s5], $0xA00  }
0x6a: {  	s7 =	simm.s32 @!p0 $0x50;
	s16 =	sshra.s32 @!p0 s23, $0x2;
	[sflag:s5] =	ssyncset.done @p0 $0x0  }
0x6b: {  	s8 =	simm.s32 @!p0 $0xB040;
	s6 =	sadd.s32 @!p0 $0x320, s16;
	[sflag:s5] =	ssyncadd.s32 @p0 $0xFFFFF600  }
0x6c: {  	[tilespmem:s8], [sflag:$0x3] =	stream.indirect.gather @!p0 [hbm4b:s4+s7], $0x20, s6, s7, $0xb8;
	[tilespmem:$0x13B40] =	vst v63  }
0x6d: {  	s6 =	simm.s32 @!p0 $0x4  }
0x6e: {  	_ =	swait.ge @!p0 [sflag:s6], $0xA00  }
0x6f: {  	[sflag:s6] =	ssyncset.done @!p0 $0x0  }
0x70: {  	s8 =	simm.s32 @!p0 $0xBA40;
	[sflag:s6] =	ssyncadd.s32 @!p0 $0xFFFFF600;
	s6 =	sadd.s32 @!p0 $0x4F10, s16  }
0x71: {  	[spmem:s2] =	stream.indirect.scatter.add.bf16 @!p0 [tilespmem:s8], [sflag:$0x9], $0x20, s6, s7, $0xb8;
	[tilespmem:$0x13B40] =	vst v63  }
0x72: {  	s6 =	simm.s32 @!p0 $0x9  }
0x73: {  	_ =	swait.ge @!p0 [sflag:s6], $0xA00  }
0x74: {  	[sflag:s6] =	ssyncset.done @!p0 $0x0  }
0x75: {  	s9 =	sadd.s32 @!p0 $0x370, s16;
	[sflag:s6] =	ssyncadd.s32 @!p0 $0xFFFFF600  }
0x76: {  	[tilespmem:s8], [sflag:$0x4] =	stream.indirect.gather @!p0 [hbm4b:s4+s7], $0x20, s9, s7, $0xb8;
	[tilespmem:$0x13B40] =	vst v63  }
0x77: {  	_ =	swait.ge [sflag:s1], $0xA00  }
0x78: {  	[sflag:s1] =	ssyncset.done $0x0  }
0x79: {  	s9 =	sadd.s32 $0x4F60, s24;
	[sflag:s1] =	ssyncadd.s32 $0xFFFFF600  }
0x7a: {  	[spmem:s2] =	stream.indirect.scatter.add.bf16 [tilespmem:s21], [sflag:$0x9], $0x20, s9, s13, $0xb8;
	[tilespmem:$0x13B40] =	vst v63  }
0x7b: {  	_ =	swait.ge [sflag:s11], $0xA00  }
0x7c: {  	[sflag:s11] =	ssyncset.done $0x0  }
0x7d: {  	s8 =	simm.s32 @p0 $0x6;
	[sflag:s11] =	ssyncadd.s32 $0xFFFFF600  }
0x7e: {  	_ =	swait.ge @p0 [sflag:s8], $0xA00  }
0x7f: {  	[sflag:s8] =	ssyncset.done @p0 $0x0  }
0x80: {  	s9 =	simm.s32 @p0 $0xCE40;
	[sflag:s8] =	ssyncadd.s32 @p0 $0xFFFFF600;
	s8 =	sadd.s32 @p0 $0x4FB0, s26  }
0x81: {  	[spmem:s2] =	stream.indirect.scatter.add.bf16 @p0 [tilespmem:s9], [sflag:$0x9], $0x20, s8, s18, $0xb8;
	[tilespmem:$0x13B40] =	vst v63  }
0x82: {  	_ =	swait.ge @p0 [sflag:s5], $0xA00  }
0x83: {  	[sflag:s5] =	ssyncset.done @p0 $0x0  }
0x84: {  	s8 =	simm.s32 @!p0 $0xC440;
	[sflag:s5] =	ssyncadd.s32 @p0 $0xFFFFF600;
	s5 =	sadd.s32 @!p0 $0x3C0, s16  }
0x85: {  	[tilespmem:s8], [sflag:$0x5] =	stream.indirect.gather @!p0 [hbm4b:s4+s7], $0x20, s5, s7, $0xb8;
	[tilespmem:$0x13B40] =	vst v63  }
0x86: {  	s5 =	simm.s32 @!p0 $0x6  }
0x87: {  	_ =	swait.ge @!p0 [sflag:s5], $0xA00  }
0x88: {  	[sflag:s5] =	ssyncset.done @!p0 $0x0  }
0x89: {  	s8 =	simm.s32 @!p0 $0xCE40;
	[sflag:s5] =	ssyncadd.s32 @!p0 $0xFFFFF600;
	s5 =	sadd.s32 @!p0 $0x4FB0, s16  }
0x8a: {  	[spmem:s2] =	stream.indirect.scatter.add.bf16 @!p0 [tilespmem:s8], [sflag:$0x9], $0x20, s5, s7, $0xb8;
	[tilespmem:$0x13B40] =	vst v63  }
0x8b: {  	_ =	swait.ge @!p0 [sflag:s6], $0xA00  }
0x8c: {  	[sflag:s6] =	ssyncset.done @!p0 $0x0  }
0x8d: {  	s5 =	sadd.s32 @!p0 $0x410, s16;
	[sflag:s6] =	ssyncadd.s32 @!p0 $0xFFFFF600  }
0x8e: {  	[tilespmem:s8], [sflag:$0x6] =	stream.indirect.gather @!p0 [hbm4b:s4+s7], $0x20, s5, s7, $0xb8;
	[tilespmem:$0x13B40] =	vst v63  }
0x8f: {  	_ =	swait.ge [sflag:s12], $0xA00  }
0x90: {  	[sflag:s12] =	ssyncset.done $0x0  }
.Ltmp2:
0x91: {  	s26 =	sadd.s32 $0x5000, s24;
	[sflag:s12] =	ssyncadd.s32 $0xFFFFF600;
	(pc) =	sbr.rel @p0 .LBB2_4-.Ltmp2, $4  }
0x92: {  	[spmem:s2] =	stream.indirect.scatter.add.bf16 [tilespmem:s25], [sflag:$0x9], $0x20, s26, s13, $0xb8;
	[tilespmem:$0x13B40] =	vst v63  }
0x93: {  	_ =	swait.ge [sflag:s11], $0xA00  }
0x94: {  	[sflag:s11] =	ssyncset.done $0x0  }
0x95: {  	s26 =	sadd.s32 $0x5050, s24;
	[sflag:s11] =	ssyncadd.s32 $0xFFFFF600  }
0x96: {  	s5 =	sadd.s32 $0x460, s24  }
0x97: {  	[tilespmem:s25], [sflag:$0x7] =	stream.indirect.gather [hbm4b:s4+s13], $0x20, s5, s13, $0xb8;
	[tilespmem:$0x13B40] =	vst v63  }
0x98: {  	_ =	swait.ge [sflag:s0], $0xA00  }
0x99: {  	[sflag:s0] =	ssyncset.done $0x0  }
0x9a: {  	[sflag:s0] =	ssyncadd.s32 $0xFFFFF600  }
0x9b: {  	[spmem:s2] =	stream.indirect.scatter.add.bf16 [tilespmem:s28], [sflag:$0x9], $0x20, s26, s13, $0xb8;
	[tilespmem:$0x13B40] =	vst v63  }
.Ltmp3:
0x9c: {  	_ = 	snop;
	(pc) =	sbr.rel .LBB2_2-.Ltmp3, $4  }
0x9d: {  	_ =	swait.ge [sflag:s11], $0xA00  }
0x9e: {  	[sflag:s11] =	ssyncset.done $0x0  }
0x9f: {  	s23 =	sadd.s32 $0xA00, s23;
	s26 =	sadd.s32 $0x4B0, s24;
	[sflag:s11] =	ssyncadd.s32 $0xFFFFF600  }
0xa0: {  	[tilespmem:s28], [sflag:$0x8] =	stream.indirect.gather [hbm4b:s4+s13], $0x20, s26, s13, $0xb8;
	[tilespmem:$0x13B40] =	vst v63  }
.LBB2_5:
0xa1: {  	_ =	sfence.sel $0x180000  }
0xa2: {  	[bflag:$0x0] =	sbarrier.arrive $0xFFFF  }
0xa3: {  	_ =	strace $0x9000004A  }
0xa4: {  	s0 =	stileid.u32;
	[bflag:$0x2] =	sbarrier.arrive $0xFFFF  }
0xa5: {  	p0 =	sne.s32 s0, $0x0;
	s0 =	rddreg [dreg:$0x3]  }
0xa6: {  	s0 =	sadd.s32 @!p0 $0x100000, s0  }
0xa7: {  	[sflag:s0] =	ssyncadd.tile.s32 @!p0 $0x1;
	_ =	shalt  }
.Lfunc_end2:
_tile_overlayer_lowered:
.L_overlay_start_2:
0xa8: {  	(tag) =	ssettag $0x2  }
0xa9: {  	s0 =	rddreg [dreg:$0x0];
	s2 =	stileid.u32  }
0xaa: {  	s1 =	rddreg [dreg:$0x1];
	p0 =	sne.s32 s2, $0x0  }
0xab: {  	s3 =	rddreg [dreg:$0x2];
	[bflag:$0x3] =	sbarrier.arrive $0xFFFF;
	s2 =	simm.s32 @!p0 $0x1C09  }
0xac: {  	[timem:s3], [sflag:s2] =	dma.local @!p0 [hbm:s0], s1  }
0xad: {  	s0 =	simm.s32 @!p0 $0x9  }
0xae: {  	_ =	swait.ge @!p0 [sflag:s0], s1  }
0xaf: {  	s1 =	ssub.s32 @!p0 $0x0, s1;
	[sflag:s0] =	ssyncset.done @!p0 $0x0  }
0xb0: {  	[sflag:s0] =	ssyncadd.s32 @!p0 s1  }
0xb1: {  	[bflag:$0x3] =	sbarrier.arrive $0xFFFF  }
0xb2: {  	_ =	shalt  }

// kernel: kernel.7.cloned.1.call-start
scs
__scs_entry_jumppad:
0x0: {  	(pc) =	sbr.rel $0x88, $3  }
0x1: {  	(tag) =	ssettag $0x0;
	lr =	simm.s32 $0x1  }
0x2: {  	[smem:$0x3F99] =	sst lr;
	_ =	strace $0xD0000000  }
0x3: {  	_ = 	snop  }
0x4: {  	_ = 	snop  }
0x5: {  	_ = 	snop  }
0x6: {  	_ = 	snop  }
0x7: {  	_ = 	snop  }
__scs_overlays_trampoline_lowered:
0x8: {  	[smem:$0x3FA8] =	sst s0  }
0x9: {  	[smem:$0x3FA9] =	sst s1  }
0xa: {  	[smem:$0x3FAA] =	sst s2  }
0xb: {  	[smem:$0x3FAB] =	sst s3  }
0xc: {  	[smem:$0x3FAC] =	sst s4  }
0xd: {  	[smem:$0x3FAD] =	sst s5  }
0xe: {  	[smem:$0x3FAE] =	sst s6  }
0xf: {  	[smem:$0x3FAF] =	sst s7  }
0x10: {  	[smem:$0x3FB0] =	sst s8  }
0x11: {  	[smem:$0x3FB1] =	sst s9;
	s0 =	simm.s32 @!p0 $0x0  }
0x12: {  	s1 =	sld [smem:$0x3F97];
	s0 =	simm.s32 @p0 $0x1  }
0x13: {  	[smem:$0x3FB2] =	sst s0;
	s0 =	simm.s32 @!p1 $0x0  }
0x14: {  	s2 =	sld [smem:$0x3F96];
	s0 =	simm.s32 @p1 $0x1  }
0x15: {  	[smem:$0x3FB3] =	sst s0;
	s0 =	simm.s32 @!p2 $0x0  }
0x16: {  	s3 =	sld [smem:$0x3FDB];
	s0 =	simm.s32 @p2 $0x1  }
0x17: {  	s4 =	simm.s32 $0x1BF5;
	[smem:$0x3FB5] =	sst s0  }
0x18: {  	s0 =	sld [smem:$0x3F98];
	_ =	swait.ge [sflag:s4], $0x0  }
0x19: {  	s7 =	sld [smem:$0x3F99]  }
0x1a: {  	s8 =	sadd.s32 $0xFFFFE003, lr  }
0x1b: {  	s9 =	sadd.s32 $0xFFFFFEF7, lr;
	s5 =	simm.s32 $0xFFFFFFFF;
	p2 =	slt.u32 s8, $0xFFFFF086  }
0x1c: {  	p1 =	slt.u32 s9, $0xF7A;
	s5 =	simm.s32 @!p2 $0x0  }
0x1d: {  	s5 =	simm.s32 @p1 $0x1;
	p0 =	seq.s32 s7, s2  }
0x1e: {  	s7 =	smul.u32 @!p0 $0xF7A, s2;
	p2 =	seq.s32 @!p0 s5, $0x0  }
0x1f: {  	s9 =	smul.u32 $0xF7A, s1;
	s8 =	simm.s32 @!p0 $0x1BF5;
	p2 =	por !p2, p0  }
0x20: {  	[sflag:s8] =	ssyncset.s32 @!p0 $0xFFFFF086;
	s6 =	sadd.s32 @!p0 s3, s7;
	s7 =	simm.s32 @!p0 $0x108  }
0x21: {  	s3 =	sadd.s32 s3, s9;
	s6 =	sadd.s32 @!p0 $0x88, s6;
	s7 =	simm.s32 @p2 $0x1082  }
0x22: {  	[simem:s7], [sflag:s8] =	dma.local @!p0 [hbm:s6], $0xF7A  }
0x23: {  	s9 =	sor.u32 $0xD0000000, s2;
	s6 =	simm.s32 $0x108;
	_ =	swait.ge @!p0 [sflag:s8], $0x0  }
0x24: {  	s3 =	sadd.s32 $0x88, s3;
	s6 =	simm.s32 @!p1 $0x1082;
	[sflag:s4] =	ssyncset.s32 $0xFFFFF086  }
0x25: {  	[simem:s6], [sflag:s4] =	dma.local [hbm:s3], $0xF7A  }
0x26: {  	[smem:$0x3F99] =	sst s1;
	(tag) =	ssettag s2;
	_ =	strace s9  }
0x27: {  	s1 =	sld [smem:$0x3FA9]  }
0x28: {  	s2 =	sld [smem:$0x3FAA]  }
0x29: {  	s4 =	sld [smem:$0x3FAC]  }
0x2a: {  	p0 =	seq.s32 s5, $0x0;
	s5 =	sld [smem:$0x3FAD]  }
0x2b: {  	s6 =	sld [smem:$0x3FAE]  }
0x2c: {  	s7 =	sld [smem:$0x3FAF]  }
0x2d: {  	s3 =	simm.s32 $0x108;
	s8 =	sld [smem:$0x3FB0]  }
0x2e: {  	s3 =	simm.s32 @!p0 $0x1082;
	s9 =	sld [smem:$0x3FB1]  }
0x2f: {  	lr =	sadd.s32 s0, s3;
	s0 =	sld [smem:$0x3FA8]  }
0x30: {  	s3 =	sld [smem:$0x3FAB]  }
0x31: {  	[smem:$0x3FB4] =	sst s10  }
0x32: {  	s10 =	sld [smem:$0x3FB2];
	_ =	sdelay $0x3  }
0x33: {  	p0 =	seq.s32 s10, $0x1;
	s10 =	sld [smem:$0x3FB4];
	_ =	sdelay $0x3  }
0x34: {  	[smem:$0x3FB4] =	sst s10  }
0x35: {  	s10 =	sld [smem:$0x3FB3];
	_ =	sdelay $0x3  }
0x36: {  	p1 =	seq.s32 s10, $0x1;
	s10 =	sld [smem:$0x3FB4];
	_ =	sdelay $0x3  }
0x37: {  	[smem:$0x3FB4] =	sst s10  }
0x38: {  	s10 =	sld [smem:$0x3FB5]  }
0x39: {  	_ = 	snop;
	(pc) =	sbr.ind lr, $3  }
0x3a: {  	_ = 	snop  }
0x3b: {  	_ = 	snop  }
0x3c: {  	p2 =	seq.s32 s10, $0x1;
	s10 =	sld [smem:$0x3FB4]  }
0x3d: {  	_ =	shalt  }
0x3e: {  	_ =	shalt  }
0x3f: {  	_ =	shalt  }
0x40: {  	_ =	shalt  }
0x41: {  	_ =	shalt  }
0x42: {  	_ =	shalt  }
0x43: {  	_ =	shalt  }
0x44: {  	_ =	shalt  }
0x45: {  	_ =	shalt  }
0x46: {  	_ =	shalt  }
0x47: {  	_ =	shalt  }
0x48: {  	_ =	shalt  }
0x49: {  	_ =	shalt  }
0x4a: {  	_ =	shalt  }
0x4b: {  	_ =	shalt  }
0x4c: {  	_ =	shalt  }
0x4d: {  	_ =	shalt  }
0x4e: {  	_ =	shalt  }
0x4f: {  	_ =	shalt  }
0x50: {  	_ =	shalt  }
0x51: {  	_ =	shalt  }
0x52: {  	_ =	shalt  }
0x53: {  	_ =	shalt  }
0x54: {  	_ =	shalt  }
0x55: {  	_ =	shalt  }
0x56: {  	_ =	shalt  }
0x57: {  	_ =	shalt  }
0x58: {  	_ =	shalt  }
0x59: {  	_ =	shalt  }
0x5a: {  	_ =	shalt  }
0x5b: {  	_ =	shalt  }
0x5c: {  	_ =	shalt  }
0x5d: {  	_ =	shalt  }
0x5e: {  	_ =	shalt  }
0x5f: {  	_ =	shalt  }
0x60: {  	_ =	shalt  }
0x61: {  	_ =	shalt  }
0x62: {  	_ =	shalt  }
0x63: {  	_ =	shalt  }
0x64: {  	_ =	shalt  }
0x65: {  	_ =	shalt  }
0x66: {  	_ =	shalt  }
0x67: {  	_ =	shalt  }
0x68: {  	_ =	shalt  }
0x69: {  	_ =	shalt  }
0x6a: {  	_ =	shalt  }
0x6b: {  	_ =	shalt  }
0x6c: {  	_ =	shalt  }
0x6d: {  	_ =	shalt  }
0x6e: {  	_ =	shalt  }
0x6f: {  	_ =	shalt  }
0x70: {  	_ =	shalt  }
0x71: {  	_ =	shalt  }
0x72: {  	_ =	shalt  }
0x73: {  	_ =	shalt  }
0x74: {  	_ =	shalt  }
0x75: {  	_ =	shalt  }
0x76: {  	_ =	shalt  }
0x77: {  	_ =	shalt  }
0x78: {  	_ =	shalt  }
0x79: {  	_ =	shalt  }
0x7a: {  	_ =	shalt  }
0x7b: {  	_ =	shalt  }
0x7c: {  	_ =	shalt  }
0x7d: {  	_ =	shalt  }
0x7e: {  	_ =	shalt  }
0x7f: {  	_ =	shalt  }
0x80: {  	_ =	shalt  }
0x81: {  	_ =	shalt  }
0x82: {  	_ =	shalt  }
0x83: {  	_ =	shalt  }
0x84: {  	_ =	shalt  }
0x85: {  	_ =	shalt  }
0x86: {  	_ =	shalt  }
0x87: {  	_ =	shalt  }
.Lfunc_end0:
.L_simem_size_0:
called_computation_lowered:
.L_overlay_start_0:
0x88: {  	s2 =	sld [smem:$0x3FD9]  }
0x89: {  	s3 =	sld [smem:$0x3FFE];
	_ =	sdelay $0x1  }
0x8a: {  	s1 =	srdreg.scid  }
0x8b: {  	s0 =	sand.u32 $0x1, s1  }
0x8c: {  	s17 =	sshll.u32 s0, $0xA;
	s2 =	sadd.s32 s3, s2  }
0x8d: {  	s2 =	sadd.s32 s2, s17  }
0x8e: {  	[smem:$0x3FC0] =	sst s2  }
0x8f: {  	_ = 	snop  }
0x90: {  	s2 =	sld [smem:$0x3FD0];
	(tm) =	ssettm $0x1  }
0x91: {  	s18 =	sld [smem:$0x3FFB];
	_ =	sdelay $0x3  }
0x92: {  	_ =	strace s18  }
0x93: {  	s3 =	sld [smem:$0x3FFC];
	_ =	sdelay $0x3  }
0x94: {  	_ =	strace s3  }
0x95: {  	s3 =	sld [smem:$0x3FFD];
	_ =	sdelay $0x3  }
0x96: {  	_ =	strace s3  }
0x97: {  	_ =	strace $0x8FFFFFFF  }
0x98: {  	s19 =	sld [smem:$0x3FDB];
	_ =	sdelay $0x1  }
0x99: {  	s4 =	simm.s32 $_scs_section_size  }
0x9a: {  	s5 =	simm.s32 $_size__tile_overlayer_lowered;
	s6 =	simm.s32 $_tile_overlayer_lowered  }
0x9b: {  	s22 =	simm.s32 $0x1BFF;
	s21 =	sshll.u32 s6, $0x1;
	s3 =	sadd.s32 s4, s19  }
0x9c: {  	s7 =	simm.s32 $0x0;
	s20 =	sshll.u32 s5, $0x1;
	s5 =	sadd.s32 s21, s3  }
0x9d: {  	[timem:s7], [sflag:s22] =	dma.local [hbm:s5], s20  }
0x9e: {  	_ =	swait.ge [sflag:s22], s20  }
0x9f: {  	s4 =	ssub.s32 $0x0, s20;
	[sflag:s22] =	ssyncset.done $0x0  }
0xa0: {  	[sflag:s22] =	ssyncadd.s32 s4;
	_ =	sdelay $0x1  }
0xa1: {  	s23 =	simm.s32 $0x1B8B  }
0xa2: {  	_ =	swait.ge [sflag:s23], $0x1  }
0xa3: {  	[sflag:s23] =	ssyncset.done $0x0  }
0xa4: {  	s25 =	simm.s32 $0x1B8E;
	s24 =	sld [smem:$0x3FFE];
	[sflag:s23] =	ssyncadd.s32 $0xFFFFFFFF  }
0xa5: {  	s26 =	simm.s32 $execute0_lowered;
	[smem:$0x3FD2] =	sst s25  }
0xa6: {  	s5 =	sshll.u32 s26, $0x1;
	_ =	strace $0x80000046;
	[dreg:$0x1] =	wrdreg $0xFFFFFFFF  }
0xa7: {  	s28 =	simm.s32 $_size_execute0_lowered;
	s3 =	sadd.s32 s3, s5;
	[dreg:$0x0] =	wrdreg $0x0  }
0xa8: {  	s5 =	sshll.u32 s28, $0x1;
	[dreg:$0x2] =	wrdreg s3  }
0xa9: {  	[dreg:$0x3] =	wrdreg s5  }
0xaa: {  	[dreg:$0x4] =	wrdreg $0xC0  }
0xab: {  	_ =	task [dreg:s7], $0x5FFFF  }
0xac: {  	[dreg:$0x1] =	wrdreg $0xFFFFFFFF  }
0xad: {  	[dreg:$0x0] =	wrdreg $0x60  }
0xae: {  	[dreg:$0x2] =	wrdreg s24  }
0xaf: {  	[dreg:$0x3] =	wrdreg s2  }
0xb0: {  	[dreg:$0x4] =	wrdreg $0xEC400  }
0xb1: {  	[dreg:$0x5] =	wrdreg $0x9  }
0xb2: {  	_ =	task.clear_ibuf [dreg:s7], $0x6FFFF;
	_ =	strace $0x90000046  }
0xb3: {  	s29 =	simm.s32 $0x9;
	_ =	strace $0x80000048  }
0xb4: {  	_ =	swait.ge [sflag:s29], $0x1  }
0xb5: {  	[sflag:s29] =	ssyncadd.s32 $0xFFFFFFFF  }
0xb6: {  	_ =	strace $0x90000048  }
0xb7: {  	_ =	sfence  }
0xb8: {  	s30 =	sld [smem:$0x0];
	_ =	sdelay $0x2  }
0xb9: {  	s31 =	sshll.u32 s1, $0xD;
	s1 =	sshrl.u32 s1, $0x2  }
0xba: {  	s3 =	sand.u32 $0x4000, s31;
	s1 =	sadd.s32 s1, s30  }
0xbb: {  	s0 =	sor.u32 s3, s0;
	s1 =	sshll.u32 s1, $0x11  }
0xbc: {  	s0 =	sor.u32 s1, s0  }
0xbd: {  	s0 =	sadd.s32 $0x8F2B, s0  }
0xbe: {  	[sflag:s0] =	ssyncadd.remote.s32 $0x1  }
0xbf: {  	_ =	sfence.sel $0xFFFF  }
0xc0: {  	[dreg:$0x0] =	wrdreg $0xFFFFFFFF;
	(pc) =	sbr.abs _section_cstart, $3  }
0xc1: {  	[dreg:$0x1] =	wrdreg $0xFFFFFFFF  }
0xc2: {  	_ =	task.clear_ibuf [dreg:s7], $0x2FFFF;
	_ =	strace $0x9FFFFFFF  }
0xc3: {  	(tm) =	ssettm $0x7FFFFFFF  }
tec
execute0_lowered:
.L_overlay_start_1:
0x0: {  	(tag) =	ssettag $0x1  }
0x1: {  	s1 =	rddreg [dreg:$0x0]  }
0x2: {  	s0 =	srdreg.scid;
	s9 =	rddreg [dreg:$0x1]  }
0x3: {  	s10 =	stileid.u32;
	s2 =	rddreg [dreg:$0x2];
	s14 =	simm.s32 $0x9C40  }
0x4: {  	s15 =	simm.s32 $0xA640;
	s17 =	simm.s32 $0xB040;
	s21 =	simm.s32 $0xC440  }
0x5: {  	s28 =	simm.s32 $0xE240;
	s29 =	simm.s32 $0x1;
	s30 =	simm.s32 $0x2  }
0x6: {  	s31 =	simm.s32 $0x3;
	s0 =	sand.u32 $0x1, s0;
	s6 =	smul.u32 $0x9C4, s10  }
0x7: {  	s19 =	simm.s32 $0x0;
	s7 =	smul.u32 $0x9E0, s10;
	s3 =	sshll.u32 s0, $0x4  }
0x8: {  	s8 =	ssub.s32 $0x2, s0;
	s0 =	smul.u32 $0x9E00, s0;
	s4 =	sor.u32 s10, s3  }
0x9: {  	s3 =	simm.s32 $0x0;
	s10 =	smul.u32 $0x13C00, s10;
	s12 =	sshrl.u32 s8, $0x1  }
0xa: {  	s13 =	sadd.s32 s6, s1;
	s5 =	smul.u32 $0x9C4, s4;
	[smem:$0x7FF] =	sst s3  }
0xb: {  	s4 =	sadd.s32 $0x1FA00, s1;
	s23 =	ssub.s32 s8, s12;
	s0 =	sadd.s32 s7, s0  }
0xc: {  	s25 =	sadd.s32 $0x2200, s13;
	s13 =	simm.s32 $0x50;
	s12 =	simm.s32 $0x7  }
0xd: {  	_ =	strace $0x80000047;
	s24 =	sshrl.u32 s10, $0x2;
	[dreg:$0x6] =	wrdreg s25  }
.Ltmp0:
0xe: {  	s0 =	sadd.s32 s9, s0;
	s10 =	smax.u32 s23, $0x1;
	(pc) =	sbr.rel .LBB2_1-.Ltmp0, $4  }
0xf: {  	s11 =	sadd.s32 s5, s1;
	s1 =	sadd.s32 $0x1800, s1;
	[dreg:$0x8] =	wrdreg s0  }
0x10: {  	s25 =	simm.s32 $0xD840;
	s26 =	sadd.s32 s24, s2;
	[dreg:$0x4] =	wrdreg s1  }
0x11: {  	s0 =	simm.s32 $0x8;
	s5 =	sadd.s32 $0xC000, s11;
	[dreg:$0x7] =	wrdreg s26  }
0x12: {  	s11 =	simm.s32 $0x9;
	s1 =	simm.s32 $0x5;
	[dreg:$0x5] =	wrdreg s5  }
.LBB2_4:
0x13: {  	_ =	swait.ge [sflag:s0], $0xA00  }
0x14: {  	[sflag:s0] =	ssyncset.done $0x0  }
0x15: {  	[sflag:s0] =	ssyncadd.s32 $0xFFFFF600  }
0x16: {  	[spmem:s2] =	stream.indirect.scatter.add.bf16 [tilespmem:s28], [sflag:$0x9], $0x20, s26, s13, $0xb8;
	[tilespmem:$0x13B40] =	vst v63  }
0x17: {  	_ =	swait.ge [sflag:s11], $0xA00  }
0x18: {  	[sflag:s11] =	ssyncset.done $0x0  }
0x19: {  	[sflag:s11] =	ssyncadd.s32 $0xFFFFF600  }
0x1a: {  	_ =	swait.ge [sflag:s29], $0xA00  }
0x1b: {  	[sflag:s29] =	ssyncset.done $0x0  }
0x1c: {  	s5 =	simm.s32 $0x9BA0;
	[sflag:s29] =	ssyncadd.s32 $0xFFFFF600  }
0x1d: {  	[spmem:s2] =	stream.indirect.scatter.add.bf16 [tilespmem:s14], [sflag:$0x9], $0x20, s5, s13, $0xb8;
	[tilespmem:$0x13B40] =	vst v63  }
0x1e: {  	_ =	swait.ge [sflag:s11], $0xA00  }
0x1f: {  	[sflag:s11] =	ssyncset.done $0x0  }
0x20: {  	[sflag:s11] =	ssyncadd.s32 $0xFFFFF600  }
0x21: {  	_ =	swait.ge [sflag:s30], $0xA00  }
0x22: {  	[sflag:s30] =	ssyncset.done $0x0  }
0x23: {  	s24 =	simm.s32 $0x9BF0;
	[sflag:s30] =	ssyncadd.s32 $0xFFFFF600  }
0x24: {  	[spmem:s2] =	stream.indirect.scatter.add.bf16 [tilespmem:s15], [sflag:$0x9], $0x20, s24, s13, $0xb8;
	[tilespmem:$0x13B40] =	vst v63  }
0x25: {  	_ =	swait.ge [sflag:s11], $0xA00  }
0x26: {  	[sflag:s11] =	ssyncset.done $0x0  }
0x27: {  	s19 =	sadd.s32 $0x1, s19;
	[sflag:s11] =	ssyncadd.s32 $0xFFFFF600  }
0x28: {  	p0 =	sne.s32 s19, s10;
	[bflag:$0x0] =	sbarrier.arrive $0xFFFF  }
.Ltmp1:
0x29: {  	s26 =	rddreg [dreg:$0x8];
	(pc) =	sbr.rel @!p0 .LBB2_5-.Ltmp1, $4  }
0x2a: {  	[hbm:s26], [sflag:s20] =	dma.local [spmem:s22], $0x9E0  }
0x2b: {  	_ =	swait.ge [sflag:s11], $0x9E0  }
0x2c: {  	[sflag:s11] =	ssyncset.done $0x0  }
0x2d: {  	[sflag:s11] =	ssyncadd.s32 $0xFFFFF620  }
.LBB2_1:
0x2e: {  	s5 =	rddreg [dreg:$0x5]  }
0x2f: {  	[tilespmem:s3], [sflag:$0x9] =	stream.linear.gather [hbm4b:s5+s3], $0x4E20, $0x38;
	[tilespmem:$0x13B40] =	vst v63  }
0x30: {  	_ =	swait.ge [sflag:s11], $0x4E20  }
0x31: {  	[sflag:s11] =	ssyncset.done $0x0  }
0x32: {  	s6 =	simm.s32 $0x4E20;
	s26 =	rddreg [dreg:$0x6];
	[sflag:s11] =	ssyncadd.s32 $0xFFFFB1E0  }
0x33: {  	[tilespmem:s6], [sflag:$0x9] =	stream.linear.gather [hbm4b:s26+s3], $0x4E20, $0x38;
	[tilespmem:$0x13B40] =	vst v63  }
0x34: {  	_ =	swait.ge [sflag:s11], $0x4E20  }
0x35: {  	[sflag:s11] =	ssyncset.done $0x0  }
0x36: {  	[sflag:s11] =	ssyncadd.s32 $0xFFFFB1E0  }
0x37: {  	[tilespmem:s14], [sflag:$0x1] =	stream.indirect.gather [hbm4b:s4+s13], $0x20, s3, s13, $0xb8;
	[tilespmem:$0x13B40] =	vst v63  }
0x38: {  	_ = 	snop  }
0x39: {  	[tilespmem:s15], [sflag:$0x2] =	stream.indirect.gather [hbm4b:s4+s13], $0x20, s13, s13, $0xb8;
	[tilespmem:$0x13B40] =	vst v63  }
0x3a: {  	s6 =	simm.s32 $0xA0  }
0x3b: {  	[tilespmem:s17], [sflag:$0x3] =	stream.indirect.gather [hbm4b:s4+s13], $0x20, s6, s13, $0xb8;
	[tilespmem:$0x13B40] =	vst v63  }
0x3c: {  	s7 =	simm.s32 $0xF0;
	s8 =	simm.s32 $0xBA40  }
0x3d: {  	[tilespmem:s8], [sflag:$0x4] =	stream.indirect.gather [hbm4b:s4+s13], $0x20, s7, s13, $0xb8;
	[tilespmem:$0x13B40] =	vst v63  }
0x3e: {  	s9 =	simm.s32 $0x140  }
0x3f: {  	[tilespmem:s21], [sflag:$0x5] =	stream.indirect.gather [hbm4b:s4+s13], $0x20, s9, s13, $0xb8;
	[tilespmem:$0x13B40] =	vst v63  }
0x40: {  	s16 =	simm.s32 $0x190;
	s18 =	simm.s32 $0xCE40  }
0x41: {  	[tilespmem:s18], [sflag:$0x6] =	stream.indirect.gather [hbm4b:s4+s13], $0x20, s16, s13, $0xb8;
	[tilespmem:$0x13B40] =	vst v63  }
0x42: {  	s20 =	simm.s32 $0x1E0;
	s23 =	stileid.u32  }
0x43: {  	[tilespmem:s25], [sflag:$0x7] =	stream.indirect.gather [hbm4b:s4+s13], $0x20, s20, s13, $0xb8;
	[tilespmem:$0x13B40] =	vst v63  }
0x44: {  	s22 =	simm.s32 $0x230;
	s24 =	rddreg [dreg:$0x7];
	s20 =	sshll.u32 s23, $0x6  }
0x45: {  	[tilespmem:s28], [sflag:$0x8] =	stream.indirect.gather [hbm4b:s4+s13], $0x20, s22, s13, $0xb8;
	[tilespmem:$0x13B40] =	vst v63  }
0x46: {  	s26 =	rddreg [dreg:$0x4];
	s20 =	sor.u32 $0x1C09, s20;
	s22 =	sshrl.u32 s24, $0x3  }
0x47: {  	[spmem:s22], [sflag:s20] =	dma.local [hbm:s26], $0x9E0  }
0x48: {  	_ =	swait.ge [sflag:s11], $0x9E0  }
0x49: {  	[sflag:s11] =	ssyncset.done $0x0  }
0x4a: {  	[sflag:s11] =	ssyncadd.s32 $0xFFFFF620  }
0x4b: {  	s23 =	simm.s32 $0x0;
	[bflag:$0x0] =	sbarrier.arrive $0xFFFF  }
.LBB2_2:
0x4c: {  	_ =	swait.ge [sflag:s29], $0xA00  }
0x4d: {  	s24 =	sshra.s32 s23, $0x2;
	[sflag:s29] =	ssyncset.done $0x0  }
0x4e: {  	s26 =	sadd.s32 $0x4E20, s24;
	[sflag:s29] =	ssyncadd.s32 $0xFFFFF600  }
0x4f: {  	[spmem:s2] =	stream.indirect.scatter.add.bf16 [tilespmem:s14], [sflag:$0x9], $0x20, s26, s13, $0xb8;
	[tilespmem:$0x13B40] =	vst v63  }
0x50: {  	_ =	swait.ge [sflag:s11], $0xA00  }
0x51: {  	[sflag:s11] =	ssyncset.done $0x0  }
0x52: {  	s5 =	sadd.s32 $0x280, s24;
	[sflag:s11] =	ssyncadd.s32 $0xFFFFF600  }
0x53: {  	[tilespmem:s14], [sflag:$0x1] =	stream.indirect.gather [hbm4b:s4+s13], $0x20, s5, s13, $0xb8;
	[tilespmem:$0x13B40] =	vst v63  }
0x54: {  	_ =	swait.ge [sflag:s30], $0xA00  }
0x55: {  	[sflag:s30] =	ssyncset.done $0x0  }
0x56: {  	s6 =	sadd.s32 $0x4E70, s24;
	[sflag:s30] =	ssyncadd.s32 $0xFFFFF600  }
0x57: {  	[spmem:s2] =	stream.indirect.scatter.add.bf16 [tilespmem:s15], [sflag:$0x9], $0x20, s6, s13, $0xb8;
	[tilespmem:$0x13B40] =	vst v63  }
0x58: {  	_ =	swait.ge [sflag:s11], $0xA00  }
0x59: {  	[sflag:s11] =	ssyncset.done $0x0  }
0x5a: {  	s7 =	sadd.s32 $0x2D0, s24;
	[sflag:s11] =	ssyncadd.s32 $0xFFFFF600  }
0x5b: {  	[tilespmem:s15], [sflag:$0x2] =	stream.indirect.gather [hbm4b:s4+s13], $0x20, s7, s13, $0xb8;
	[tilespmem:$0x13B40] =	vst v63  }
0x5c: {  	_ =	swait.ge [sflag:s31], $0xA00  }
0x5d: {  	[sflag:s31] =	ssyncset.done $0x0  }
0x5e: {  	s8 =	sadd.s32 $0x4EC0, s24;
	[sflag:s31] =	ssyncadd.s32 $0xFFFFF600  }
0x5f: {  	[spmem:s2] =	stream.indirect.scatter.add.bf16 [tilespmem:s17], [sflag:$0x9], $0x20, s8, s13, $0xb8;
	[tilespmem:$0x13B40] =	vst v63  }
0x60: {  	_ =	swait.ge [sflag:s11], $0xA00  }
0x61: {  	p0 =	seq.s32 s23, $0x12C00;
	[sflag:s11] =	ssyncset.done $0x0  }
0x62: {  	s26 =	simm.s32 @p0 $0x4;
	[sflag:s11] =	ssyncadd.s32 $0xFFFFF600  }
0x63: {  	_ =	swait.ge @p0 [sflag:s26], $0xA00  }
0x64: {  	[sflag:s26] =	ssyncset.done @p0 $0x0  }
0x65: {  	[sflag:s26] =	ssyncadd.s32 @p0 $0xFFFFF600;
	s26 =	sshra.s32 @p0 s23, $0x2  }
0x66: {  	s18 =	simm.s32 @p0 $0x50;
	s5 =	simm.s32 @p0 $0xBA40;
	s16 =	sadd.s32 @p0 $0x4F10, s26  }
0x67: {  	[spmem:s2] =	stream.indirect.scatter.add.bf16 @p0 [tilespmem:s5], [sflag:$0x9], $0x20, s16, s18, $0xb8;
	[tilespmem:$0x13B40] =	vst v63  }
0x68: {  	s5 =	simm.s32 @p0 $0x9  }
0x69: {  	_ =	swait.ge @p0 [sflag:s5], $0xA00  }
0x6a: {  	s7 =	simm.s32 @!p0 $0x50;
	s16 =	sshra.s32 @!p0 s23, $0x2;
	[sflag:s5] =	ssyncset.done @p0 $0x0  }
0x6b: {  	s8 =	simm.s32 @!p0 $0xB040;
	s6 =	sadd.s32 @!p0 $0x320, s16;
	[sflag:s5] =	ssyncadd.s32 @p0 $0xFFFFF600  }
0x6c: {  	[tilespmem:s8], [sflag:$0x3] =	stream.indirect.gather @!p0 [hbm4b:s4+s7], $0x20, s6, s7, $0xb8;
	[tilespmem:$0x13B40] =	vst v63  }
0x6d: {  	s6 =	simm.s32 @!p0 $0x4  }
0x6e: {  	_ =	swait.ge @!p0 [sflag:s6], $0xA00  }
0x6f: {  	[sflag:s6] =	ssyncset.done @!p0 $0x0  }
0x70: {  	s8 =	simm.s32 @!p0 $0xBA40;
	[sflag:s6] =	ssyncadd.s32 @!p0 $0xFFFFF600;
	s6 =	sadd.s32 @!p0 $0x4F10, s16  }
0x71: {  	[spmem:s2] =	stream.indirect.scatter.add.bf16 @!p0 [tilespmem:s8], [sflag:$0x9], $0x20, s6, s7, $0xb8;
	[tilespmem:$0x13B40] =	vst v63  }
0x72: {  	s6 =	simm.s32 @!p0 $0x9  }
0x73: {  	_ =	swait.ge @!p0 [sflag:s6], $0xA00  }
0x74: {  	[sflag:s6] =	ssyncset.done @!p0 $0x0  }
0x75: {  	s9 =	sadd.s32 @!p0 $0x370, s16;
	[sflag:s6] =	ssyncadd.s32 @!p0 $0xFFFFF600  }
0x76: {  	[tilespmem:s8], [sflag:$0x4] =	stream.indirect.gather @!p0 [hbm4b:s4+s7], $0x20, s9, s7, $0xb8;
	[tilespmem:$0x13B40] =	vst v63  }
0x77: {  	_ =	swait.ge [sflag:s1], $0xA00  }
0x78: {  	[sflag:s1] =	ssyncset.done $0x0  }
0x79: {  	s9 =	sadd.s32 $0x4F60, s24;
	[sflag:s1] =	ssyncadd.s32 $0xFFFFF600  }
0x7a: {  	[spmem:s2] =	stream.indirect.scatter.add.bf16 [tilespmem:s21], [sflag:$0x9], $0x20, s9, s13, $0xb8;
	[tilespmem:$0x13B40] =	vst v63  }
0x7b: {  	_ =	swait.ge [sflag:s11], $0xA00  }
0x7c: {  	[sflag:s11] =	ssyncset.done $0x0  }
0x7d: {  	s8 =	simm.s32 @p0 $0x6;
	[sflag:s11] =	ssyncadd.s32 $0xFFFFF600  }
0x7e: {  	_ =	swait.ge @p0 [sflag:s8], $0xA00  }
0x7f: {  	[sflag:s8] =	ssyncset.done @p0 $0x0  }
0x80: {  	s9 =	simm.s32 @p0 $0xCE40;
	[sflag:s8] =	ssyncadd.s32 @p0 $0xFFFFF600;
	s8 =	sadd.s32 @p0 $0x4FB0, s26  }
0x81: {  	[spmem:s2] =	stream.indirect.scatter.add.bf16 @p0 [tilespmem:s9], [sflag:$0x9], $0x20, s8, s18, $0xb8;
	[tilespmem:$0x13B40] =	vst v63  }
0x82: {  	_ =	swait.ge @p0 [sflag:s5], $0xA00  }
0x83: {  	[sflag:s5] =	ssyncset.done @p0 $0x0  }
0x84: {  	s8 =	simm.s32 @!p0 $0xC440;
	[sflag:s5] =	ssyncadd.s32 @p0 $0xFFFFF600;
	s5 =	sadd.s32 @!p0 $0x3C0, s16  }
0x85: {  	[tilespmem:s8], [sflag:$0x5] =	stream.indirect.gather @!p0 [hbm4b:s4+s7], $0x20, s5, s7, $0xb8;
	[tilespmem:$0x13B40] =	vst v63  }
0x86: {  	s5 =	simm.s32 @!p0 $0x6  }
0x87: {  	_ =	swait.ge @!p0 [sflag:s5], $0xA00  }
0x88: {  	[sflag:s5] =	ssyncset.done @!p0 $0x0  }
0x89: {  	s8 =	simm.s32 @!p0 $0xCE40;
	[sflag:s5] =	ssyncadd.s32 @!p0 $0xFFFFF600;
	s5 =	sadd.s32 @!p0 $0x4FB0, s16  }
0x8a: {  	[spmem:s2] =	stream.indirect.scatter.add.bf16 @!p0 [tilespmem:s8], [sflag:$0x9], $0x20, s5, s7, $0xb8;
	[tilespmem:$0x13B40] =	vst v63  }
0x8b: {  	_ =	swait.ge @!p0 [sflag:s6], $0xA00  }
0x8c: {  	[sflag:s6] =	ssyncset.done @!p0 $0x0  }
0x8d: {  	s5 =	sadd.s32 @!p0 $0x410, s16;
	[sflag:s6] =	ssyncadd.s32 @!p0 $0xFFFFF600  }
0x8e: {  	[tilespmem:s8], [sflag:$0x6] =	stream.indirect.gather @!p0 [hbm4b:s4+s7], $0x20, s5, s7, $0xb8;
	[tilespmem:$0x13B40] =	vst v63  }
0x8f: {  	_ =	swait.ge [sflag:s12], $0xA00  }
0x90: {  	[sflag:s12] =	ssyncset.done $0x0  }
.Ltmp2:
0x91: {  	s26 =	sadd.s32 $0x5000, s24;
	[sflag:s12] =	ssyncadd.s32 $0xFFFFF600;
	(pc) =	sbr.rel @p0 .LBB2_4-.Ltmp2, $4  }
0x92: {  	[spmem:s2] =	stream.indirect.scatter.add.bf16 [tilespmem:s25], [sflag:$0x9], $0x20, s26, s13, $0xb8;
	[tilespmem:$0x13B40] =	vst v63  }
0x93: {  	_ =	swait.ge [sflag:s11], $0xA00  }
0x94: {  	[sflag:s11] =	ssyncset.done $0x0  }
0x95: {  	s26 =	sadd.s32 $0x5050, s24;
	[sflag:s11] =	ssyncadd.s32 $0xFFFFF600  }
0x96: {  	s5 =	sadd.s32 $0x460, s24  }
0x97: {  	[tilespmem:s25], [sflag:$0x7] =	stream.indirect.gather [hbm4b:s4+s13], $0x20, s5, s13, $0xb8;
	[tilespmem:$0x13B40] =	vst v63  }
0x98: {  	_ =	swait.ge [sflag:s0], $0xA00  }
0x99: {  	[sflag:s0] =	ssyncset.done $0x0  }
0x9a: {  	[sflag:s0] =	ssyncadd.s32 $0xFFFFF600  }
0x9b: {  	[spmem:s2] =	stream.indirect.scatter.add.bf16 [tilespmem:s28], [sflag:$0x9], $0x20, s26, s13, $0xb8;
	[tilespmem:$0x13B40] =	vst v63  }
.Ltmp3:
0x9c: {  	_ = 	snop;
	(pc) =	sbr.rel .LBB2_2-.Ltmp3, $4  }
0x9d: {  	_ =	swait.ge [sflag:s11], $0xA00  }
0x9e: {  	[sflag:s11] =	ssyncset.done $0x0  }
0x9f: {  	s23 =	sadd.s32 $0xA00, s23;
	s26 =	sadd.s32 $0x4B0, s24;
	[sflag:s11] =	ssyncadd.s32 $0xFFFFF600  }
0xa0: {  	[tilespmem:s28], [sflag:$0x8] =	stream.indirect.gather [hbm4b:s4+s13], $0x20, s26, s13, $0xb8;
	[tilespmem:$0x13B40] =	vst v63  }
.LBB2_5:
0xa1: {  	_ =	sfence.sel $0x180000  }
0xa2: {  	[bflag:$0x0] =	sbarrier.arrive $0xFFFF  }
0xa3: {  	_ =	strace $0x90000047  }
0xa4: {  	s0 =	stileid.u32;
	[bflag:$0x2] =	sbarrier.arrive $0xFFFF  }
0xa5: {  	p0 =	sne.s32 s0, $0x0;
	s0 =	rddreg [dreg:$0x3]  }
0xa6: {  	s0 =	sadd.s32 @!p0 $0x100000, s0  }
0xa7: {  	[sflag:s0] =	ssyncadd.tile.s32 @!p0 $0x1;
	_ =	shalt  }
.Lfunc_end2:
_tile_overlayer_lowered:
.L_overlay_start_2:
0xa8: {  	(tag) =	ssettag $0x2  }
0xa9: {  	s0 =	rddreg [dreg:$0x0];
	s2 =	stileid.u32  }
0xaa: {  	s1 =	rddreg [dreg:$0x1];
	p0 =	sne.s32 s2, $0x0  }
0xab: {  	s3 =	rddreg [dreg:$0x2];
	[bflag:$0x3] =	sbarrier.arrive $0xFFFF;
	s2 =	simm.s32 @!p0 $0x1C09  }
0xac: {  	[timem:s3], [sflag:s2] =	dma.local @!p0 [hbm:s0], s1  }
0xad: {  	s0 =	simm.s32 @!p0 $0x9  }
0xae: {  	_ =	swait.ge @!p0 [sflag:s0], s1  }
0xaf: {  	s1 =	ssub.s32 @!p0 $0x0, s1;
	[sflag:s0] =	ssyncset.done @!p0 $0x0  }
0xb0: {  	[sflag:s0] =	ssyncadd.s32 @!p0 s1  }
0xb1: {  	[bflag:$0x3] =	sbarrier.arrive $0xFFFF  }
0xb2: {  	_ =	shalt  }

</sc_bundles>
